<compile_context>
chip_gen: v7x
topology: tpu7x:2x2x1
jax: 0.10.2.dev20260603
libtpu: 0.0.44.dev20260713+nightly
codegen_flags: <defaults>
</compile_context>

<pallas_src>
import functools
import jax
import jax.numpy as jnp
from jax import lax
from jax.experimental import pallas as pl
from jax.experimental.pallas import tpu as pltpu
from jax.experimental.pallas import tpu_sc as plsc

N = 10000
E = 320000
F = 128
C = 64
C2 = C // 2

NC = 2
NS = 16
NW = NC * NS

BATCH = 128
NCHUNK = E // BATCH
CPW = NCHUNK // NW
XTRA = NCHUNK % NW

N_PAD = 10240
RPW = N_PAD // NS

_mesh = plsc.VectorSubcoreMesh(core_axis_name="c", subcore_axis_name="s")


def _chunk_range(wid):
    extra = (wid < XTRA).astype(jnp.int32)
    off = wid * CPW + jnp.minimum(wid, XTRA)
    return off, CPW + extra


@functools.partial(
    pl.kernel,
    out_type=jax.ShapeDtypeStruct((NC, N_PAD), jnp.float32),
    mesh=_mesh,
    scratch_types=[
        pltpu.VMEM(((CPW + 1) * BATCH,), jnp.int32),
        pltpu.VMEM((BATCH,), jnp.float32),
        pltpu.VMEM((BATCH,), jnp.float32),
        pltpu.VMEM_SHARED((N_PAD,), jnp.float32),
    ],
    compiler_params=pltpu.CompilerParams(use_tc_tiling_on_sc=False),
)
def _deg_kernel(adj_hbm, degp_hbm, dst_v, ones_v, zero_v, deg_sh):
    c = lax.axis_index("c")
    s = lax.axis_index("s")
    wid = c * NS + s
    off, nch = _chunk_range(wid)

    one = jnp.ones((16,), jnp.float32)
    z = jnp.zeros((16,), jnp.float32)
    for j in range(BATCH // 16):
        ones_v[pl.ds(j * 16, 16)] = one
        zero_v[pl.ds(j * 16, 16)] = z

    base = s * RPW
    for k in range(RPW // BATCH):
        pltpu.sync_copy(zero_v, deg_sh.at[pl.ds(base + k * BATCH, BATCH)])

    eoff = off * BATCH

    @pl.when(wid < XTRA)
    def _():
        pltpu.sync_copy(adj_hbm.at[1, pl.ds(eoff, (CPW + 1) * BATCH)], dst_v)

    @pl.when(wid >= XTRA)
    def _():
        pltpu.sync_copy(adj_hbm.at[1, pl.ds(eoff, CPW * BATCH)],
                        dst_v.at[pl.ds(0, CPW * BATCH)])

    plsc.subcore_barrier()

    @pl.loop(0, nch)
    def _(j):
        pltpu.sync_copy(ones_v, deg_sh.at[dst_v.at[pl.ds(j * BATCH, BATCH)]], add=True)

    plsc.subcore_barrier()
    pltpu.sync_copy(deg_sh.at[pl.ds(base, RPW)],
                    degp_hbm.at[c, pl.ds(base, RPW)])


NBUF = 2


@functools.partial(
    pl.kernel,
    out_type=jax.ShapeDtypeStruct((NC, N_PAD, 128), jnp.float32),
    mesh=_mesh,
    scratch_types=[
        pltpu.VMEM(((CPW + 1) * BATCH,), jnp.int32),
        pltpu.VMEM(((CPW + 1) * BATCH,), jnp.int32),
        [pltpu.VMEM((BATCH, C2), jnp.float32)] * NBUF,
        pltpu.VMEM((BATCH, C2), jnp.float32),
        [pltpu.VMEM_SHARED((N_PAD, C2), jnp.float32)] * 2,
        pltpu.VMEM_SHARED((N_PAD, C2), jnp.float32),
        [pltpu.SemaphoreType.DMA] * NBUF,
        [pltpu.SemaphoreType.DMA] * NBUF,
        pltpu.SemaphoreType.DMA,
    ],
    compiler_params=pltpu.CompilerParams(use_tc_tiling_on_sc=False),
)
def _agg_kernel(h2s_hbm, adj_hbm, accp_hbm,
                src_v, dst_v, bufs, zbuf, h2_shs, acc_sh, gsems, ssems, psem):
    c = lax.axis_index("c")
    s = lax.axis_index("s")
    wid = c * NS + s
    off, nch = _chunk_range(wid)
    base = s * RPW

    z = jnp.zeros((16,), jnp.float32)

    @pl.loop(0, BATCH)
    def _(i):
        for j in range(C2 // 16):
            zbuf[i, pl.ds(j * 16, 16)] = z

    eoff = off * BATCH

    @pl.when(wid < XTRA)
    def _():
        pltpu.sync_copy(adj_hbm.at[0, pl.ds(eoff, (CPW + 1) * BATCH)], src_v)
        pltpu.sync_copy(adj_hbm.at[1, pl.ds(eoff, (CPW + 1) * BATCH)], dst_v)

    @pl.when(wid >= XTRA)
    def _():
        pltpu.sync_copy(adj_hbm.at[0, pl.ds(eoff, CPW * BATCH)],
                        src_v.at[pl.ds(0, CPW * BATCH)])
        pltpu.sync_copy(adj_hbm.at[1, pl.ds(eoff, CPW * BATCH)],
                        dst_v.at[pl.ds(0, CPW * BATCH)])

    pltpu.sync_copy(h2s_hbm.at[pl.ds(base, RPW), pl.ds(0, C2)],
                    h2_shs[0].at[pl.ds(base, RPW)])
    pltpu.async_copy(h2s_hbm.at[pl.ds(base, RPW), pl.ds(C2, C2)],
                     h2_shs[1].at[pl.ds(base, RPW)], psem)

    for p in range(2):
        h2_sh = h2_shs[p]
        if p == 1:
            pltpu.make_async_copy(h2s_hbm.at[pl.ds(base, RPW), pl.ds(C2, C2)],
                                  h2_shs[1].at[pl.ds(base, RPW)], psem).wait()
        for k in range(RPW // BATCH):
            pltpu.sync_copy(zbuf, acc_sh.at[pl.ds(base + k * BATCH, BATCH)])
        plsc.subcore_barrier()

        for b in range(NBUF):
            pltpu.async_copy(h2_sh.at[src_v.at[pl.ds(b * BATCH, BATCH)]], bufs[b], gsems[b])

        @pl.loop(0, CPW, step=NBUF)
        def _(j):
            for b in range(NBUF):
                jj = j + b
                pltpu.make_async_copy(h2_sh.at[src_v.at[pl.ds(jj * BATCH, BATCH)]], bufs[b], gsems[b]).wait()
                pltpu.async_copy(bufs[b], acc_sh.at[dst_v.at[pl.ds(jj * BATCH, BATCH)]], ssems[b], add=True)
            for b in range(NBUF):
                nxt = j + b + NBUF

                @pl.when(nxt < CPW)
                def _():
                    pltpu.make_async_copy(
                        bufs[b], acc_sh.at[dst_v.at[pl.ds((nxt - NBUF) * BATCH, BATCH)]], ssems[b]).wait()
                    pltpu.async_copy(h2_sh.at[src_v.at[pl.ds(nxt * BATCH, BATCH)]], bufs[b], gsems[b])

        for b in range(NBUF):
            pltpu.make_async_copy(
                bufs[b], acc_sh.at[dst_v.at[pl.ds((CPW - NBUF + b) * BATCH, BATCH)]], ssems[b]).wait()

        @pl.when(nch > CPW)
        def _():
            pltpu.sync_copy(h2_sh.at[src_v.at[pl.ds(CPW * BATCH, BATCH)]], zbuf)
            pltpu.sync_copy(zbuf, acc_sh.at[dst_v.at[pl.ds(CPW * BATCH, BATCH)]], add=True)

        plsc.subcore_barrier()
        pltpu.sync_copy(acc_sh.at[pl.ds(base, RPW)],
                        accp_hbm.at[c, pl.ds(base, RPW), pl.ds(p * C2, C2)])

        if p == 0:
            @pl.when(nch > CPW)
            def _():
                @pl.loop(0, BATCH)
                def _(i):
                    for j in range(C2 // 16):
                        zbuf[i, pl.ds(j * 16, 16)] = z


RB = 1024


def _mm_body(x_ref, w_ref, h_ref):
    h = jnp.dot(x_ref[...], w_ref[...], preferred_element_type=jnp.float32)
    h_ref[...] = jnp.concatenate([h, h], axis=1)


def _scale_body(deg_ref, h_ref, h2f_ref):
    deg = deg_ref[0] + deg_ref[1] + 1.0
    dinv = lax.rsqrt(deg)
    h2f_ref[...] = h_ref[...] * dinv[:, None]


def _fin_body(deg_ref, acc_ref, h2f_ref, b_ref, out_ref):
    deg = deg_ref[0] + deg_ref[1] + 1.0
    dinv = lax.rsqrt(deg)
    tot = acc_ref[0, :, :C] + acc_ref[1, :, :C] + h2f_ref[:, :C]
    out_ref[...] = tot * dinv[:, None] + b_ref[...]


def _tc_mm(x, W):
    return pl.pallas_call(
        _mm_body,
        grid=(N_PAD // RB,),
        in_specs=[
            pl.BlockSpec((RB, F), lambda i: (i, 0)),
            pl.BlockSpec((F, C), lambda i: (0, 0)),
        ],
        out_specs=pl.BlockSpec((RB, 128), lambda i: (i, 0)),
        out_shape=jax.ShapeDtypeStruct((N_PAD, 128), jnp.float32),
    )(x, W)


def _tc_scale(degp, h):
    return pl.pallas_call(
        _scale_body,
        grid=(N_PAD // RB,),
        in_specs=[
            pl.BlockSpec((NC, RB), lambda i: (0, i)),
            pl.BlockSpec((RB, 128), lambda i: (i, 0)),
        ],
        out_specs=pl.BlockSpec((RB, 128), lambda i: (i, 0)),
        out_shape=jax.ShapeDtypeStruct((N_PAD, 128), jnp.float32),
    )(degp, h)


def _tc_final(degp, accp, h2s, b):
    return pl.pallas_call(
        _fin_body,
        grid=(N_PAD // RB,),
        in_specs=[
            pl.BlockSpec((NC, RB), lambda i: (0, i)),
            pl.BlockSpec((NC, RB, 128), lambda i: (0, i, 0)),
            pl.BlockSpec((RB, 128), lambda i: (i, 0)),
            pl.BlockSpec((1, C), lambda i: (0, 0)),
        ],
        out_specs=pl.BlockSpec((RB, C), lambda i: (i, 0)),
        out_shape=jax.ShapeDtypeStruct((N, C), jnp.float32),
    )(degp, accp, h2s, b)


def kernel(x, adj, W, b):
    adj2d = adj.astype(jnp.int32)

    degp = _deg_kernel(adj2d)
    h = _tc_mm(x, W)
    h2s = _tc_scale(degp, h)
    accp = _agg_kernel(h2s, adj2d)
    return _tc_final(degp, accp, h2s, b.reshape(1, C))

# --- scband reference (transcript-rebuilt; emitter-appended) ---
"""Pipeline reference for scband-stand-gcn1-25056839205779 (READ-ONLY COPY).

The authoritative reference and input builder live on the scoring server;
editing this copy changes nothing except your own understanding.
"""

import jax, jax.numpy as jnp
import numpy as np

N_NODES = 10000
N_EDGES = 320000
NFEAT = 128
NCLASS = 64


def setup_inputs(seed: int = 0) -> dict:
    key = jax.random.key(seed)
    k1, k2, k3, k4 = jax.random.split(key, 4)
    x = jax.random.normal(k1, (N_NODES, NFEAT), dtype=jnp.float32)
    edge_index = jax.random.randint(k2, (2, N_EDGES), 0, N_NODES, dtype=jnp.int64)
    # GCNConv linear weight (glorot) and bias, per torch_geometric GCNConv(nfeat, nclass)
    limit = float(np.sqrt(6.0 / (NFEAT + NCLASS)))
    W = jax.random.uniform(k3, (NFEAT, NCLASS), dtype=jnp.float32, minval=-limit, maxval=limit)
    b = jnp.zeros((NCLASS,), dtype=jnp.float32)
    return {"x": x, "adj": edge_index, "W": W, "b": b}


def reference(x, adj, W, b):
    # StandGCN1.forward: single GCNConv(nfeat, nclass) with default settings:
    # add self-loops, symmetric normalization D^-1/2 A D^-1/2, linear transform, bias.
    N = x.shape[0]
    loops = jnp.arange(N, dtype=adj.dtype)
    self_loops = jnp.stack([loops, loops], axis=0)
    ei = jnp.concatenate([adj, self_loops], axis=1)
    src = ei[0]
    dst = ei[1]
    # degree computed on destination nodes (scatter-add of edge weights = 1)
    ones = jnp.ones((ei.shape[1],), dtype=x.dtype)
    deg = jnp.zeros((N,), dtype=x.dtype).at[dst].add(ones)
    deg_inv_sqrt = jnp.where(deg > 0, jax.lax.rsqrt(jnp.maximum(deg, 1e-12)), 0.0)
    norm = deg_inv_sqrt[src] * deg_inv_sqrt[dst]
    # linear transform then gather + scatter-add aggregation
    h = x @ W
    msgs = jnp.take(h, src, axis=0) * norm[:, None]
    out = jnp.zeros((N, h.shape[1]), dtype=x.dtype).at[dst].add(msgs)
    out = out + b
    return out

if __name__ == "__main__":
    import jax
    _d = setup_inputs()
    print(jax.jit(kernel)(*tuple(_d.values())))

</pallas_src>

<mosaic_0001>
#map = affine_map<(d0, d1) -> (0, 0)>
#map1 = affine_map<(d0, d1) -> (0, 0, 0)>
module attributes {stable_mosaic.version = 14 : i64} {
  func.func @_agg_kernel(%arg0: i32, %arg1: i32, %arg2: memref<10240x128xf32, #tpu.memory_space<hbm>>, %arg3: memref<2x320000xi32, #tpu.memory_space<hbm>>, %arg4: memref<2x10240x128xf32, #tpu.memory_space<hbm>>, %arg5: memref<10112xi32, #tpu.memory_space<vmem>>, %arg6: memref<10112xi32, #tpu.memory_space<vmem>>, %arg7: memref<128x32xf32, #tpu.memory_space<vmem>>, %arg8: memref<128x32xf32, #tpu.memory_space<vmem>>, %arg9: memref<128x32xf32, #tpu.memory_space<vmem>>, %arg10: memref<10240x32xf32, #tpu.memory_space<vmem_shared>>, %arg11: memref<10240x32xf32, #tpu.memory_space<vmem_shared>>, %arg12: memref<10240x32xf32, #tpu.memory_space<vmem_shared>>, %arg13: memref<!tpu.dma_semaphore, #tpu.memory_space<semaphore_mem>>, %arg14: memref<!tpu.dma_semaphore, #tpu.memory_space<semaphore_mem>>, %arg15: memref<!tpu.dma_semaphore, #tpu.memory_space<semaphore_mem>>, %arg16: memref<!tpu.dma_semaphore, #tpu.memory_space<semaphore_mem>>, %arg17: memref<!tpu.dma_semaphore, #tpu.memory_space<semaphore_mem>>) attributes {dimension_semantics = [#tpu.dimension_semantics<core_parallel>, #tpu.dimension_semantics<subcore_parallel>], iteration_bounds = array<i64: 2, 16>, scalar_prefetch = 0 : i64, scratch_operands = 13 : i64, tpu.core_type = #tpu.core_type<sc_vector_subcore>, window_params = [{transform_indices = #map}, {transform_indices = #map}, {transform_indices = #map1}]} {
    %mul3A = arith.constant 16 : i32
    %mul3A_0 = arith.muli %arg0, %mul3A : i32
    %add3A = arith.addi %mul3A_0, %arg1 : i32
    %lt3A = arith.constant 4 : i32
    %lt3A_1 = arith.cmpi slt, %add3A, %lt3A : i32
    %convert_element_type3A = arith.extui %lt3A_1 : i1 to i32
    %mul3A_2 = arith.constant 78 : i32
    %mul3A_3 = arith.muli %add3A, %mul3A_2 : i32
    %min3A = arith.constant 4 : i32
    %min3A_4 = arith.minsi %add3A, %min3A : i32
    %add3A_5 = arith.addi %mul3A_3, %min3A_4 : i32
    %add3A_6 = arith.constant 78 : i32
    %add3A_7 = arith.addi %add3A_6, %convert_element_type3A : i32
    %mul3A_8 = arith.constant 640 : i32
    %mul3A_9 = arith.muli %arg1, %mul3A_8 : i32
    %broadcast_in_dim3A = arith.constant 0.000000e+00 : f32
    %broadcast_in_dim3A_10 = vector.broadcast %broadcast_in_dim3A : f32 to vector<16xf32>
    %scan3A = arith.constant 0 : i32
    %scan3A_11 = arith.constant 128 : i32
    %scan3A_12 = arith.addi %scan3A, %scan3A_11 : i32
    %scan3A_13 = arith.constant 1 : i32
    scf.for %scan3A_118 = %scan3A to %scan3A_12 step %scan3A_13  : i32 {
      %mul3A_119 = arith.constant 1 : i32
      %mul3A_120 = arith.muli %scan3A_118, %mul3A_119 : i32
      %add3A_121 = arith.constant 0 : i32
      %add3A_122 = arith.addi %add3A_121, %mul3A_120 : i32
      %swap3A = arith.index_cast %add3A_122 : i32 to index
      %swap3A_123 = arith.constant 0 : index
      %swap3A_124 = tpu.vector_load %arg9[%swap3A, %swap3A_123] {strides = array<i32>} : memref<128x32xf32, #tpu.memory_space<vmem>>, vector<1x16xf32>,
      %swap3A_125 = vector.shape_cast %swap3A_124 : vector<1x16xf32> to vector<16xf32>
      %swap3A_126 = vector.shape_cast %broadcast_in_dim3A_10 : vector<16xf32> to vector<1x16xf32>
      tpu.vector_store %arg9[%swap3A, %swap3A_123], %swap3A_126 {strides = array<i32>} : memref<128x32xf32, #tpu.memory_space<vmem>>, vector<1x16xf32>,
      %swap3A_127 = arith.index_cast %add3A_122 : i32 to index
      %swap3A_128 = arith.constant 16 : index
      %swap3A_129 = tpu.vector_load %arg9[%swap3A_127, %swap3A_128] {strides = array<i32>} : memref<128x32xf32, #tpu.memory_space<vmem>>, vector<1x16xf32>,
      %swap3A_130 = vector.shape_cast %swap3A_129 : vector<1x16xf32> to vector<16xf32>
      %swap3A_131 = vector.shape_cast %broadcast_in_dim3A_10 : vector<16xf32> to vector<1x16xf32>
      tpu.vector_store %arg9[%swap3A_127, %swap3A_128], %swap3A_131 {strides = array<i32>} : memref<128x32xf32, #tpu.memory_space<vmem>>, vector<1x16xf32>,
    }
    %scan3A_14 = arith.constant 128 : i32
    %mul3A_15 = arith.constant 128 : i32
    %mul3A_16 = arith.muli %add3A_5, %mul3A_15 : i32
    %lt3A_17 = arith.constant 4 : i32
    %lt3A_18 = arith.cmpi slt, %add3A, %lt3A_17 : i32
    %convert_element_type3A_19 = arith.extui %lt3A_18 : i1 to i32
    %cond3A = arith.constant 0 : i32
    %cond3A_20 = arith.cmpi ne, %convert_element_type3A_19, %cond3A : i32
    scf.if %cond3A_20 {
      %run_scoped3A = arith.constant 0 : i32
      "tpu.region"() ({
        %run_scoped3A_119 = tpu.sem_alloc : memref<!tpu.dma_semaphore, #tpu.memory_space<semaphore_mem>>
        %dma_start3A_120 = tpu.memref_slice %arg3[%run_scoped3A, %mul3A_16] : memref<2x320000xi32, #tpu.memory_space<hbm>> -> memref<1x10112xi32, #tpu.memory_space<hbm>>
        %dma_start3A_121 = tpu.memref_squeeze %dma_start3A_120 : memref<1x10112xi32, #tpu.memory_space<hbm>> -> memref<10112xi32, #tpu.memory_space<hbm>>
        %dma_start3A_122 = tpu.memref_slice %arg3[%run_scoped3A, %mul3A_16] : memref<2x320000xi32, #tpu.memory_space<hbm>> -> memref<1x10112xi32, #tpu.memory_space<hbm>>
        %dma_start3A_123 = tpu.memref_squeeze %dma_start3A_122 : memref<1x10112xi32, #tpu.memory_space<hbm>> -> memref<10112xi32, #tpu.memory_space<hbm>>
        tpu.enqueue_dma source(%dma_start3A_123 : memref<10112xi32, #tpu.memory_space<hbm>>) target(%arg5 : memref<10112xi32, #tpu.memory_space<vmem>>) target_semaphore(%run_scoped3A_119 : memref<!tpu.dma_semaphore, #tpu.memory_space<semaphore_mem>>)
        %dma_wait3A_124 = tpu.memref_slice %arg3[%run_scoped3A, %mul3A_16] : memref<2x320000xi32, #tpu.memory_space<hbm>> -> memref<1x10112xi32, #tpu.memory_space<hbm>>
        %dma_wait3A_125 = tpu.memref_squeeze %dma_wait3A_124 : memref<1x10112xi32, #tpu.memory_space<hbm>> -> memref<10112xi32, #tpu.memory_space<hbm>>
        %dma_wait3A_126 = tpu.memref_slice %arg3[%run_scoped3A, %mul3A_16] : memref<2x320000xi32, #tpu.memory_space<hbm>> -> memref<1x10112xi32, #tpu.memory_space<hbm>>
        %dma_wait3A_127 = tpu.memref_squeeze %dma_wait3A_126 : memref<1x10112xi32, #tpu.memory_space<hbm>> -> memref<10112xi32, #tpu.memory_space<hbm>>
        tpu.wait_dma2 semaphore(%run_scoped3A_119 : memref<!tpu.dma_semaphore, #tpu.memory_space<semaphore_mem>>) src(%dma_wait3A_127 : memref<10112xi32, #tpu.memory_space<hbm>>) dst(%arg5 : memref<10112xi32, #tpu.memory_space<vmem>>)
        tpu.yield
      }) : () -> ()
      %run_scoped3A_118 = arith.constant 1 : i32
      "tpu.region"() ({
        %run_scoped3A_119 = tpu.sem_alloc : memref<!tpu.dma_semaphore, #tpu.memory_space<semaphore_mem>>
        %dma_start3A_120 = tpu.memref_slice %arg3[%run_scoped3A_118, %mul3A_16] : memref<2x320000xi32, #tpu.memory_space<hbm>> -> memref<1x10112xi32, #tpu.memory_space<hbm>>
        %dma_start3A_121 = tpu.memref_squeeze %dma_start3A_120 : memref<1x10112xi32, #tpu.memory_space<hbm>> -> memref<10112xi32, #tpu.memory_space<hbm>>
        %dma_start3A_122 = tpu.memref_slice %arg3[%run_scoped3A_118, %mul3A_16] : memref<2x320000xi32, #tpu.memory_space<hbm>> -> memref<1x10112xi32, #tpu.memory_space<hbm>>
        %dma_start3A_123 = tpu.memref_squeeze %dma_start3A_122 : memref<1x10112xi32, #tpu.memory_space<hbm>> -> memref<10112xi32, #tpu.memory_space<hbm>>
        tpu.enqueue_dma source(%dma_start3A_123 : memref<10112xi32, #tpu.memory_space<hbm>>) target(%arg6 : memref<10112xi32, #tpu.memory_space<vmem>>) target_semaphore(%run_scoped3A_119 : memref<!tpu.dma_semaphore, #tpu.memory_space<semaphore_mem>>)
        %dma_wait3A_124 = tpu.memref_slice %arg3[%run_scoped3A_118, %mul3A_16] : memref<2x320000xi32, #tpu.memory_space<hbm>> -> memref<1x10112xi32, #tpu.memory_space<hbm>>
        %dma_wait3A_125 = tpu.memref_squeeze %dma_wait3A_124 : memref<1x10112xi32, #tpu.memory_space<hbm>> -> memref<10112xi32, #tpu.memory_space<hbm>>
        %dma_wait3A_126 = tpu.memref_slice %arg3[%run_scoped3A_118, %mul3A_16] : memref<2x320000xi32, #tpu.memory_space<hbm>> -> memref<1x10112xi32, #tpu.memory_space<hbm>>
        %dma_wait3A_127 = tpu.memref_squeeze %dma_wait3A_126 : memref<1x10112xi32, #tpu.memory_space<hbm>> -> memref<10112xi32, #tpu.memory_space<hbm>>
        tpu.wait_dma2 semaphore(%run_scoped3A_119 : memref<!tpu.dma_semaphore, #tpu.memory_space<semaphore_mem>>) src(%dma_wait3A_127 : memref<10112xi32, #tpu.memory_space<hbm>>) dst(%arg6 : memref<10112xi32, #tpu.memory_space<vmem>>)
        tpu.yield
      }) : () -> ()
    } else {
    }
    %ge3A = arith.constant 4 : i32
    %ge3A_21 = arith.cmpi sge, %add3A, %ge3A : i32
    %convert_element_type3A_22 = arith.extui %ge3A_21 : i1 to i32
    %cond3A_23 = arith.constant 0 : i32
    %cond3A_24 = arith.cmpi ne, %convert_element_type3A_22, %cond3A_23 : i32
    scf.if %cond3A_24 {
      %run_scoped3A = arith.constant 0 : i32
      "tpu.region"() ({
        %run_scoped3A_119 = tpu.sem_alloc : memref<!tpu.dma_semaphore, #tpu.memory_space<semaphore_mem>>
        %dma_start3A_120 = arith.constant 0 : i32
        %dma_start3A_121 = tpu.memref_slice %arg5[%dma_start3A_120] : memref<10112xi32, #tpu.memory_space<vmem>> -> memref<9984xi32, #tpu.memory_space<vmem>>
        %dma_start3A_122 = tpu.memref_slice %arg3[%run_scoped3A, %mul3A_16] : memref<2x320000xi32, #tpu.memory_space<hbm>> -> memref<1x9984xi32, #tpu.memory_space<hbm>>
        %dma_start3A_123 = tpu.memref_squeeze %dma_start3A_122 : memref<1x9984xi32, #tpu.memory_space<hbm>> -> memref<9984xi32, #tpu.memory_space<hbm>>
        %dma_start3A_124 = arith.constant 0 : i32
        %dma_start3A_125 = tpu.memref_slice %arg5[%dma_start3A_124] : memref<10112xi32, #tpu.memory_space<vmem>> -> memref<9984xi32, #tpu.memory_space<vmem>>
        %dma_start3A_126 = tpu.memref_slice %arg3[%run_scoped3A, %mul3A_16] : memref<2x320000xi32, #tpu.memory_space<hbm>> -> memref<1x9984xi32, #tpu.memory_space<hbm>>
        %dma_start3A_127 = tpu.memref_squeeze %dma_start3A_126 : memref<1x9984xi32, #tpu.memory_space<hbm>> -> memref<9984xi32, #tpu.memory_space<hbm>>
        tpu.enqueue_dma source(%dma_start3A_127 : memref<9984xi32, #tpu.memory_space<hbm>>) target(%dma_start3A_125 : memref<9984xi32, #tpu.memory_space<vmem>>) target_semaphore(%run_scoped3A_119 : memref<!tpu.dma_semaphore, #tpu.memory_space<semaphore_mem>>)
        %dma_wait3A_128 = arith.constant 0 : i32
        %dma_wait3A_129 = tpu.memref_slice %arg5[%dma_wait3A_128] : memref<10112xi32, #tpu.memory_space<vmem>> -> memref<9984xi32, #tpu.memory_space<vmem>>
        %dma_wait3A_130 = tpu.memref_slice %arg3[%run_scoped3A, %mul3A_16] : memref<2x320000xi32, #tpu.memory_space<hbm>> -> memref<1x9984xi32, #tpu.memory_space<hbm>>
        %dma_wait3A_131 = tpu.memref_squeeze %dma_wait3A_130 : memref<1x9984xi32, #tpu.memory_space<hbm>> -> memref<9984xi32, #tpu.memory_space<hbm>>
        %dma_wait3A_132 = arith.constant 0 : i32
        %dma_wait3A_133 = tpu.memref_slice %arg5[%dma_wait3A_132] : memref<10112xi32, #tpu.memory_space<vmem>> -> memref<9984xi32, #tpu.memory_space<vmem>>
        %dma_wait3A_134 = tpu.memref_slice %arg3[%run_scoped3A, %mul3A_16] : memref<2x320000xi32, #tpu.memory_space<hbm>> -> memref<1x9984xi32, #tpu.memory_space<hbm>>
        %dma_wait3A_135 = tpu.memref_squeeze %dma_wait3A_134 : memref<1x9984xi32, #tpu.memory_space<hbm>> -> memref<9984xi32, #tpu.memory_space<hbm>>
        tpu.wait_dma2 semaphore(%run_scoped3A_119 : memref<!tpu.dma_semaphore, #tpu.memory_space<semaphore_mem>>) src(%dma_wait3A_135 : memref<9984xi32, #tpu.memory_space<hbm>>) dst(%dma_wait3A_133 : memref<9984xi32, #tpu.memory_space<vmem>>)
        tpu.yield
      }) : () -> ()
      %run_scoped3A_118 = arith.constant 1 : i32
      "tpu.region"() ({
        %run_scoped3A_119 = tpu.sem_alloc : memref<!tpu.dma_semaphore, #tpu.memory_space<semaphore_mem>>
        %dma_start3A_120 = arith.constant 0 : i32
        %dma_start3A_121 = tpu.memref_slice %arg6[%dma_start3A_120] : memref<10112xi32, #tpu.memory_space<vmem>> -> memref<9984xi32, #tpu.memory_space<vmem>>
        %dma_start3A_122 = tpu.memref_slice %arg3[%run_scoped3A_118, %mul3A_16] : memref<2x320000xi32, #tpu.memory_space<hbm>> -> memref<1x9984xi32, #tpu.memory_space<hbm>>
        %dma_start3A_123 = tpu.memref_squeeze %dma_start3A_122 : memref<1x9984xi32, #tpu.memory_space<hbm>> -> memref<9984xi32, #tpu.memory_space<hbm>>
        %dma_start3A_124 = arith.constant 0 : i32
        %dma_start3A_125 = tpu.memref_slice %arg6[%dma_start3A_124] : memref<10112xi32, #tpu.memory_space<vmem>> -> memref<9984xi32, #tpu.memory_space<vmem>>
        %dma_start3A_126 = tpu.memref_slice %arg3[%run_scoped3A_118, %mul3A_16] : memref<2x320000xi32, #tpu.memory_space<hbm>> -> memref<1x9984xi32, #tpu.memory_space<hbm>>
        %dma_start3A_127 = tpu.memref_squeeze %dma_start3A_126 : memref<1x9984xi32, #tpu.memory_space<hbm>> -> memref<9984xi32, #tpu.memory_space<hbm>>
        tpu.enqueue_dma source(%dma_start3A_127 : memref<9984xi32, #tpu.memory_space<hbm>>) target(%dma_start3A_125 : memref<9984xi32, #tpu.memory_space<vmem>>) target_semaphore(%run_scoped3A_119 : memref<!tpu.dma_semaphore, #tpu.memory_space<semaphore_mem>>)
        %dma_wait3A_128 = arith.constant 0 : i32
        %dma_wait3A_129 = tpu.memref_slice %arg6[%dma_wait3A_128] : memref<10112xi32, #tpu.memory_space<vmem>> -> memref<9984xi32, #tpu.memory_space<vmem>>
        %dma_wait3A_130 = tpu.memref_slice %arg3[%run_scoped3A_118, %mul3A_16] : memref<2x320000xi32, #tpu.memory_space<hbm>> -> memref<1x9984xi32, #tpu.memory_space<hbm>>
        %dma_wait3A_131 = tpu.memref_squeeze %dma_wait3A_130 : memref<1x9984xi32, #tpu.memory_space<hbm>> -> memref<9984xi32, #tpu.memory_space<hbm>>
        %dma_wait3A_132 = arith.constant 0 : i32
        %dma_wait3A_133 = tpu.memref_slice %arg6[%dma_wait3A_132] : memref<10112xi32, #tpu.memory_space<vmem>> -> memref<9984xi32, #tpu.memory_space<vmem>>
        %dma_wait3A_134 = tpu.memref_slice %arg3[%run_scoped3A_118, %mul3A_16] : memref<2x320000xi32, #tpu.memory_space<hbm>> -> memref<1x9984xi32, #tpu.memory_space<hbm>>
        %dma_wait3A_135 = tpu.memref_squeeze %dma_wait3A_134 : memref<1x9984xi32, #tpu.memory_space<hbm>> -> memref<9984xi32, #tpu.memory_space<hbm>>
        tpu.wait_dma2 semaphore(%run_scoped3A_119 : memref<!tpu.dma_semaphore, #tpu.memory_space<semaphore_mem>>) src(%dma_wait3A_135 : memref<9984xi32, #tpu.memory_space<hbm>>) dst(%dma_wait3A_133 : memref<9984xi32, #tpu.memory_space<vmem>>)
        tpu.yield
      }) : () -> ()
    } else {
    }
    "tpu.region"() ({
      %run_scoped3A = tpu.sem_alloc : memref<!tpu.dma_semaphore, #tpu.memory_space<semaphore_mem>>
      %dma_start3A_118 = arith.constant 0 : i32
      %dma_start3A_119 = tpu.memref_slice %arg10[%mul3A_9, %dma_start3A_118] : memref<10240x32xf32, #tpu.memory_space<vmem_shared>> -> memref<640x32xf32, #tpu.memory_space<vmem_shared>>
      %dma_start3A_120 = arith.constant 0 : i32
      %dma_start3A_121 = tpu.memref_slice %arg2[%mul3A_9, %dma_start3A_120] : memref<10240x128xf32, #tpu.memory_space<hbm>> -> memref<640x32xf32, #tpu.memory_space<hbm>>
      tpu.enqueue_dma source(%dma_start3A_121 : memref<640x32xf32, #tpu.memory_space<hbm>>) target(%dma_start3A_119 : memref<640x32xf32, #tpu.memory_space<vmem_shared>>) target_semaphore(%run_scoped3A : memref<!tpu.dma_semaphore, #tpu.memory_space<semaphore_mem>>)
      %dma_wait3A_122 = arith.constant 0 : i32
      %dma_wait3A_123 = tpu.memref_slice %arg10[%mul3A_9, %dma_wait3A_122] : memref<10240x32xf32, #tpu.memory_space<vmem_shared>> -> memref<640x32xf32, #tpu.memory_space<vmem_shared>>
      %dma_wait3A_124 = arith.constant 0 : i32
      %dma_wait3A_125 = tpu.memref_slice %arg2[%mul3A_9, %dma_wait3A_124] : memref<10240x128xf32, #tpu.memory_space<hbm>> -> memref<640x32xf32, #tpu.memory_space<hbm>>
      tpu.wait_dma2 semaphore(%run_scoped3A : memref<!tpu.dma_semaphore, #tpu.memory_space<semaphore_mem>>) src(%dma_wait3A_125 : memref<640x32xf32, #tpu.memory_space<hbm>>) dst(%dma_wait3A_123 : memref<640x32xf32, #tpu.memory_space<vmem_shared>>)
      tpu.yield
    }) : () -> ()
    %dma_start3A = arith.constant 0 : i32
    %dma_start3A_25 = tpu.memref_slice %arg11[%mul3A_9, %dma_start3A] : memref<10240x32xf32, #tpu.memory_space<vmem_shared>> -> memref<640x32xf32, #tpu.memory_space<vmem_shared>>
    %dma_start3A_26 = arith.constant 32 : i32
    %dma_start3A_27 = tpu.memref_slice %arg2[%mul3A_9, %dma_start3A_26] : memref<10240x128xf32, #tpu.memory_space<hbm>> -> memref<640x32xf32, #tpu.memory_space<hbm>>
    tpu.enqueue_dma source(%dma_start3A_27 : memref<640x32xf32, #tpu.memory_space<hbm>>) target(%dma_start3A_25 : memref<640x32xf32, #tpu.memory_space<vmem_shared>>) target_semaphore(%arg17 : memref<!tpu.dma_semaphore, #tpu.memory_space<semaphore_mem>>)
    %add3A_28 = arith.constant 0 : i32
    %add3A_29 = arith.addi %mul3A_9, %add3A_28 : i32
    "tpu.region"() ({
      %run_scoped3A = tpu.sem_alloc : memref<!tpu.dma_semaphore, #tpu.memory_space<semaphore_mem>>
      %dma_start3A_118 = arith.constant 0 : i32
      %dma_start3A_119 = tpu.memref_slice %arg12[%add3A_29, %dma_start3A_118] : memref<10240x32xf32, #tpu.memory_space<vmem_shared>> -> memref<128x32xf32, #tpu.memory_space<vmem_shared>>
      %dma_start3A_120 = arith.constant 0 : i32
      %dma_start3A_121 = tpu.memref_slice %arg12[%add3A_29, %dma_start3A_120] : memref<10240x32xf32, #tpu.memory_space<vmem_shared>> -> memref<128x32xf32, #tpu.memory_space<vmem_shared>>
      tpu.enqueue_dma source(%arg9 : memref<128x32xf32, #tpu.memory_space<vmem>>) target(%dma_start3A_121 : memref<128x32xf32, #tpu.memory_space<vmem_shared>>) target_semaphore(%run_scoped3A : memref<!tpu.dma_semaphore, #tpu.memory_space<semaphore_mem>>)
      %dma_wait3A_122 = arith.constant 0 : i32
      %dma_wait3A_123 = tpu.memref_slice %arg12[%add3A_29, %dma_wait3A_122] : memref<10240x32xf32, #tpu.memory_space<vmem_shared>> -> memref<128x32xf32, #tpu.memory_space<vmem_shared>>
      %dma_wait3A_124 = arith.constant 0 : i32
      %dma_wait3A_125 = tpu.memref_slice %arg12[%add3A_29, %dma_wait3A_124] : memref<10240x32xf32, #tpu.memory_space<vmem_shared>> -> memref<128x32xf32, #tpu.memory_space<vmem_shared>>
      tpu.wait_dma2 semaphore(%run_scoped3A : memref<!tpu.dma_semaphore, #tpu.memory_space<semaphore_mem>>) src(%arg9 : memref<128x32xf32, #tpu.memory_space<vmem>>) dst(%dma_wait3A_125 : memref<128x32xf32, #tpu.memory_space<vmem_shared>>)
      tpu.yield
    }) : () -> ()
    %add3A_30 = arith.constant 128 : i32
    %add3A_31 = arith.addi %mul3A_9, %add3A_30 : i32
    "tpu.region"() ({
      %run_scoped3A = tpu.sem_alloc : memref<!tpu.dma_semaphore, #tpu.memory_space<semaphore_mem>>
      %dma_start3A_118 = arith.constant 0 : i32
      %dma_start3A_119 = tpu.memref_slice %arg12[%add3A_31, %dma_start3A_118] : memref<10240x32xf32, #tpu.memory_space<vmem_shared>> -> memref<128x32xf32, #tpu.memory_space<vmem_shared>>
      %dma_start3A_120 = arith.constant 0 : i32
      %dma_start3A_121 = tpu.memref_slice %arg12[%add3A_31, %dma_start3A_120] : memref<10240x32xf32, #tpu.memory_space<vmem_shared>> -> memref<128x32xf32, #tpu.memory_space<vmem_shared>>
      tpu.enqueue_dma source(%arg9 : memref<128x32xf32, #tpu.memory_space<vmem>>) target(%dma_start3A_121 : memref<128x32xf32, #tpu.memory_space<vmem_shared>>) target_semaphore(%run_scoped3A : memref<!tpu.dma_semaphore, #tpu.memory_space<semaphore_mem>>)
      %dma_wait3A_122 = arith.constant 0 : i32
      %dma_wait3A_123 = tpu.memref_slice %arg12[%add3A_31, %dma_wait3A_122] : memref<10240x32xf32, #tpu.memory_space<vmem_shared>> -> memref<128x32xf32, #tpu.memory_space<vmem_shared>>
      %dma_wait3A_124 = arith.constant 0 : i32
      %dma_wait3A_125 = tpu.memref_slice %arg12[%add3A_31, %dma_wait3A_124] : memref<10240x32xf32, #tpu.memory_space<vmem_shared>> -> memref<128x32xf32, #tpu.memory_space<vmem_shared>>
      tpu.wait_dma2 semaphore(%run_scoped3A : memref<!tpu.dma_semaphore, #tpu.memory_space<semaphore_mem>>) src(%arg9 : memref<128x32xf32, #tpu.memory_space<vmem>>) dst(%dma_wait3A_125 : memref<128x32xf32, #tpu.memory_space<vmem_shared>>)
      tpu.yield
    }) : () -> ()
    %add3A_32 = arith.constant 256 : i32
    %add3A_33 = arith.addi %mul3A_9, %add3A_32 : i32
    "tpu.region"() ({
      %run_scoped3A = tpu.sem_alloc : memref<!tpu.dma_semaphore, #tpu.memory_space<semaphore_mem>>
      %dma_start3A_118 = arith.constant 0 : i32
      %dma_start3A_119 = tpu.memref_slice %arg12[%add3A_33, %dma_start3A_118] : memref<10240x32xf32, #tpu.memory_space<vmem_shared>> -> memref<128x32xf32, #tpu.memory_space<vmem_shared>>
      %dma_start3A_120 = arith.constant 0 : i32
      %dma_start3A_121 = tpu.memref_slice %arg12[%add3A_33, %dma_start3A_120] : memref<10240x32xf32, #tpu.memory_space<vmem_shared>> -> memref<128x32xf32, #tpu.memory_space<vmem_shared>>
      tpu.enqueue_dma source(%arg9 : memref<128x32xf32, #tpu.memory_space<vmem>>) target(%dma_start3A_121 : memref<128x32xf32, #tpu.memory_space<vmem_shared>>) target_semaphore(%run_scoped3A : memref<!tpu.dma_semaphore, #tpu.memory_space<semaphore_mem>>)
      %dma_wait3A_122 = arith.constant 0 : i32
      %dma_wait3A_123 = tpu.memref_slice %arg12[%add3A_33, %dma_wait3A_122] : memref<10240x32xf32, #tpu.memory_space<vmem_shared>> -> memref<128x32xf32, #tpu.memory_space<vmem_shared>>
      %dma_wait3A_124 = arith.constant 0 : i32
      %dma_wait3A_125 = tpu.memref_slice %arg12[%add3A_33, %dma_wait3A_124] : memref<10240x32xf32, #tpu.memory_space<vmem_shared>> -> memref<128x32xf32, #tpu.memory_space<vmem_shared>>
      tpu.wait_dma2 semaphore(%run_scoped3A : memref<!tpu.dma_semaphore, #tpu.memory_space<semaphore_mem>>) src(%arg9 : memref<128x32xf32, #tpu.memory_space<vmem>>) dst(%dma_wait3A_125 : memref<128x32xf32, #tpu.memory_space<vmem_shared>>)
      tpu.yield
    }) : () -> ()
    %add3A_34 = arith.constant 384 : i32
    %add3A_35 = arith.addi %mul3A_9, %add3A_34 : i32
    "tpu.region"() ({
      %run_scoped3A = tpu.sem_alloc : memref<!tpu.dma_semaphore, #tpu.memory_space<semaphore_mem>>
      %dma_start3A_118 = arith.constant 0 : i32
      %dma_start3A_119 = tpu.memref_slice %arg12[%add3A_35, %dma_start3A_118] : memref<10240x32xf32, #tpu.memory_space<vmem_shared>> -> memref<128x32xf32, #tpu.memory_space<vmem_shared>>
      %dma_start3A_120 = arith.constant 0 : i32
      %dma_start3A_121 = tpu.memref_slice %arg12[%add3A_35, %dma_start3A_120] : memref<10240x32xf32, #tpu.memory_space<vmem_shared>> -> memref<128x32xf32, #tpu.memory_space<vmem_shared>>
      tpu.enqueue_dma source(%arg9 : memref<128x32xf32, #tpu.memory_space<vmem>>) target(%dma_start3A_121 : memref<128x32xf32, #tpu.memory_space<vmem_shared>>) target_semaphore(%run_scoped3A : memref<!tpu.dma_semaphore, #tpu.memory_space<semaphore_mem>>)
      %dma_wait3A_122 = arith.constant 0 : i32
      %dma_wait3A_123 = tpu.memref_slice %arg12[%add3A_35, %dma_wait3A_122] : memref<10240x32xf32, #tpu.memory_space<vmem_shared>> -> memref<128x32xf32, #tpu.memory_space<vmem_shared>>
      %dma_wait3A_124 = arith.constant 0 : i32
      %dma_wait3A_125 = tpu.memref_slice %arg12[%add3A_35, %dma_wait3A_124] : memref<10240x32xf32, #tpu.memory_space<vmem_shared>> -> memref<128x32xf32, #tpu.memory_space<vmem_shared>>
      tpu.wait_dma2 semaphore(%run_scoped3A : memref<!tpu.dma_semaphore, #tpu.memory_space<semaphore_mem>>) src(%arg9 : memref<128x32xf32, #tpu.memory_space<vmem>>) dst(%dma_wait3A_125 : memref<128x32xf32, #tpu.memory_space<vmem_shared>>)
      tpu.yield
    }) : () -> ()
    %add3A_36 = arith.constant 512 : i32
    %add3A_37 = arith.addi %mul3A_9, %add3A_36 : i32
    "tpu.region"() ({
      %run_scoped3A = tpu.sem_alloc : memref<!tpu.dma_semaphore, #tpu.memory_space<semaphore_mem>>
      %dma_start3A_118 = arith.constant 0 : i32
      %dma_start3A_119 = tpu.memref_slice %arg12[%add3A_37, %dma_start3A_118] : memref<10240x32xf32, #tpu.memory_space<vmem_shared>> -> memref<128x32xf32, #tpu.memory_space<vmem_shared>>
      %dma_start3A_120 = arith.constant 0 : i32
      %dma_start3A_121 = tpu.memref_slice %arg12[%add3A_37, %dma_start3A_120] : memref<10240x32xf32, #tpu.memory_space<vmem_shared>> -> memref<128x32xf32, #tpu.memory_space<vmem_shared>>
      tpu.enqueue_dma source(%arg9 : memref<128x32xf32, #tpu.memory_space<vmem>>) target(%dma_start3A_121 : memref<128x32xf32, #tpu.memory_space<vmem_shared>>) target_semaphore(%run_scoped3A : memref<!tpu.dma_semaphore, #tpu.memory_space<semaphore_mem>>)
      %dma_wait3A_122 = arith.constant 0 : i32
      %dma_wait3A_123 = tpu.memref_slice %arg12[%add3A_37, %dma_wait3A_122] : memref<10240x32xf32, #tpu.memory_space<vmem_shared>> -> memref<128x32xf32, #tpu.memory_space<vmem_shared>>
      %dma_wait3A_124 = arith.constant 0 : i32
      %dma_wait3A_125 = tpu.memref_slice %arg12[%add3A_37, %dma_wait3A_124] : memref<10240x32xf32, #tpu.memory_space<vmem_shared>> -> memref<128x32xf32, #tpu.memory_space<vmem_shared>>
      tpu.wait_dma2 semaphore(%run_scoped3A : memref<!tpu.dma_semaphore, #tpu.memory_space<semaphore_mem>>) src(%arg9 : memref<128x32xf32, #tpu.memory_space<vmem>>) dst(%dma_wait3A_125 : memref<128x32xf32, #tpu.memory_space<vmem_shared>>)
      tpu.yield
    }) : () -> ()
    %barrier3A = arith.constant 0 : index
    tpu.barrier barrier_id(%barrier3A)
    %dma_start3A_38 = arith.constant 0 : i32
    %dma_start3A_39 = tpu.memref_slice %arg5[%dma_start3A_38] : memref<10112xi32, #tpu.memory_space<vmem>> -> memref<128xi32, #tpu.memory_space<vmem>>
    %dma_start3A_40 = arith.constant 0 : i32
    %dma_start3A_41 = arith.constant 0 : i32
    %dma_start3A_42 = tpu.memref_slice %arg10[%dma_start3A_40, %dma_start3A_41] : memref<10240x32xf32, #tpu.memory_space<vmem_shared>> -> memref<10240x32xf32, #tpu.memory_space<vmem_shared>>
    tpu.enqueue_indirect_dma source(%dma_start3A_42 : memref<10240x32xf32, #tpu.memory_space<vmem_shared>>) target(%arg7 : memref<128x32xf32, #tpu.memory_space<vmem>>) offsets(%dma_start3A_39 : memref<128xi32, #tpu.memory_space<vmem>>) semaphore(%arg13 : memref<!tpu.dma_semaphore, #tpu.memory_space<semaphore_mem>>)
    %dma_start3A_43 = arith.constant 128 : i32
    %dma_start3A_44 = tpu.memref_slice %arg5[%dma_start3A_43] : memref<10112xi32, #tpu.memory_space<vmem>> -> memref<128xi32, #tpu.memory_space<vmem>>
    %dma_start3A_45 = arith.constant 0 : i32
    %dma_start3A_46 = arith.constant 0 : i32
    %dma_start3A_47 = tpu.memref_slice %arg10[%dma_start3A_45, %dma_start3A_46] : memref<10240x32xf32, #tpu.memory_space<vmem_shared>> -> memref<10240x32xf32, #tpu.memory_space<vmem_shared>>
    tpu.enqueue_indirect_dma source(%dma_start3A_47 : memref<10240x32xf32, #tpu.memory_space<vmem_shared>>) target(%arg8 : memref<128x32xf32, #tpu.memory_space<vmem>>) offsets(%dma_start3A_44 : memref<128xi32, #tpu.memory_space<vmem>>) semaphore(%arg14 : memref<!tpu.dma_semaphore, #tpu.memory_space<semaphore_mem>>)
    %scan3A_48 = arith.constant 0 : i32
    %scan3A_49 = arith.constant 39 : i32
    %scan3A_50 = arith.addi %scan3A_48, %scan3A_49 : i32
    %scan3A_51 = arith.constant 1 : i32
    scf.for %scan3A_118 = %scan3A_48 to %scan3A_50 step %scan3A_51  : i32 {
      %mul3A_119 = arith.constant 2 : i32
      %mul3A_120 = arith.muli %scan3A_118, %mul3A_119 : i32
      %add3A_121 = arith.constant 0 : i32
      %add3A_122 = arith.addi %add3A_121, %mul3A_120 : i32
      %add3A_123 = arith.constant 0 : i32
      %add3A_124 = arith.addi %add3A_122, %add3A_123 : i32
      %mul3A_125 = arith.constant 128 : i32
      %mul3A_126 = arith.muli %add3A_124, %mul3A_125 : i32
      %dma_wait3A_127 = tpu.memref_slice %arg5[%mul3A_126] : memref<10112xi32, #tpu.memory_space<vmem>> -> memref<128xi32, #tpu.memory_space<vmem>>
      %dma_wait3A_128 = arith.constant 0 : i32
      %dma_wait3A_129 = arith.constant 0 : i32
      %dma_wait3A_130 = tpu.memref_slice %arg10[%dma_wait3A_128, %dma_wait3A_129] : memref<10240x32xf32, #tpu.memory_space<vmem_shared>> -> memref<10240x32xf32, #tpu.memory_space<vmem_shared>>
      tpu.wait_indirect_dma semaphore(%arg13 : memref<!tpu.dma_semaphore, #tpu.memory_space<semaphore_mem>>) src(%dma_wait3A_130 : memref<10240x32xf32, #tpu.memory_space<vmem_shared>>) dst(%arg7 : memref<128x32xf32, #tpu.memory_space<vmem>>)
      %mul3A_131 = arith.constant 128 : i32
      %mul3A_132 = arith.muli %add3A_124, %mul3A_131 : i32
      %dma_start3A_133 = tpu.memref_slice %arg6[%mul3A_132] : memref<10112xi32, #tpu.memory_space<vmem>> -> memref<128xi32, #tpu.memory_space<vmem>>
      %dma_start3A_134 = arith.constant 0 : i32
      %dma_start3A_135 = arith.constant 0 : i32
      %dma_start3A_136 = tpu.memref_slice %arg12[%dma_start3A_134, %dma_start3A_135] : memref<10240x32xf32, #tpu.memory_space<vmem_shared>> -> memref<10240x32xf32, #tpu.memory_space<vmem_shared>>
      tpu.enqueue_indirect_dma source(%arg7 : memref<128x32xf32, #tpu.memory_space<vmem>>) target(%dma_start3A_136 : memref<10240x32xf32, #tpu.memory_space<vmem_shared>>) offsets(%dma_start3A_133 : memref<128xi32, #tpu.memory_space<vmem>>) semaphore(%arg15 : memref<!tpu.dma_semaphore, #tpu.memory_space<semaphore_mem>>) {add = true}
      %add3A_137 = arith.constant 1 : i32
      %add3A_138 = arith.addi %add3A_122, %add3A_137 : i32
      %mul3A_139 = arith.constant 128 : i32
      %mul3A_140 = arith.muli %add3A_138, %mul3A_139 : i32
      %dma_wait3A_141 = tpu.memref_slice %arg5[%mul3A_140] : memref<10112xi32, #tpu.memory_space<vmem>> -> memref<128xi32, #tpu.memory_space<vmem>>
      %dma_wait3A_142 = arith.constant 0 : i32
      %dma_wait3A_143 = arith.constant 0 : i32
      %dma_wait3A_144 = tpu.memref_slice %arg10[%dma_wait3A_142, %dma_wait3A_143] : memref<10240x32xf32, #tpu.memory_space<vmem_shared>> -> memref<10240x32xf32, #tpu.memory_space<vmem_shared>>
      tpu.wait_indirect_dma semaphore(%arg14 : memref<!tpu.dma_semaphore, #tpu.memory_space<semaphore_mem>>) src(%dma_wait3A_144 : memref<10240x32xf32, #tpu.memory_space<vmem_shared>>) dst(%arg8 : memref<128x32xf32, #tpu.memory_space<vmem>>)
      %mul3A_145 = arith.constant 128 : i32
      %mul3A_146 = arith.muli %add3A_138, %mul3A_145 : i32
      %dma_start3A_147 = tpu.memref_slice %arg6[%mul3A_146] : memref<10112xi32, #tpu.memory_space<vmem>> -> memref<128xi32, #tpu.memory_space<vmem>>
      %dma_start3A_148 = arith.constant 0 : i32
      %dma_start3A_149 = arith.constant 0 : i32
      %dma_start3A_150 = tpu.memref_slice %arg12[%dma_start3A_148, %dma_start3A_149] : memref<10240x32xf32, #tpu.memory_space<vmem_shared>> -> memref<10240x32xf32, #tpu.memory_space<vmem_shared>>
      tpu.enqueue_indirect_dma source(%arg8 : memref<128x32xf32, #tpu.memory_space<vmem>>) target(%dma_start3A_150 : memref<10240x32xf32, #tpu.memory_space<vmem_shared>>) offsets(%dma_start3A_147 : memref<128xi32, #tpu.memory_space<vmem>>) semaphore(%arg16 : memref<!tpu.dma_semaphore, #tpu.memory_space<semaphore_mem>>) {add = true}
      %add3A_151 = arith.constant 0 : i32
      %add3A_152 = arith.addi %add3A_122, %add3A_151 : i32
      %add3A_153 = arith.constant 2 : i32
      %add3A_154 = arith.addi %add3A_152, %add3A_153 : i32
      %lt3A_155 = arith.constant 78 : i32
      %lt3A_156 = arith.cmpi slt, %add3A_154, %lt3A_155 : i32
      %convert_element_type3A_157 = arith.extui %lt3A_156 : i1 to i32
      %cond3A_158 = arith.constant 0 : i32
      %cond3A_159 = arith.cmpi ne, %convert_element_type3A_157, %cond3A_158 : i32
      scf.if %cond3A_159 {
        %sub3A = arith.constant 2 : i32
        %sub3A_169 = arith.subi %add3A_154, %sub3A : i32
        %mul3A_170 = arith.constant 128 : i32
        %mul3A_171 = arith.muli %sub3A_169, %mul3A_170 : i32
        %dma_wait3A_172 = tpu.memref_slice %arg6[%mul3A_171] : memref<10112xi32, #tpu.memory_space<vmem>> -> memref<128xi32, #tpu.memory_space<vmem>>
        %dma_wait3A_173 = arith.constant 0 : i32
        %dma_wait3A_174 = arith.constant 0 : i32
        %dma_wait3A_175 = tpu.memref_slice %arg12[%dma_wait3A_173, %dma_wait3A_174] : memref<10240x32xf32, #tpu.memory_space<vmem_shared>> -> memref<10240x32xf32, #tpu.memory_space<vmem_shared>>
        tpu.wait_indirect_dma semaphore(%arg15 : memref<!tpu.dma_semaphore, #tpu.memory_space<semaphore_mem>>) src(%arg7 : memref<128x32xf32, #tpu.memory_space<vmem>>) dst(%dma_wait3A_175 : memref<10240x32xf32, #tpu.memory_space<vmem_shared>>)
        %mul3A_176 = arith.constant 128 : i32
        %mul3A_177 = arith.muli %add3A_154, %mul3A_176 : i32
        %dma_start3A_178 = tpu.memref_slice %arg5[%mul3A_177] : memref<10112xi32, #tpu.memory_space<vmem>> -> memref<128xi32, #tpu.memory_space<vmem>>
        %dma_start3A_179 = arith.constant 0 : i32
        %dma_start3A_180 = arith.constant 0 : i32
        %dma_start3A_181 = tpu.memref_slice %arg10[%dma_start3A_179, %dma_start3A_180] : memref<10240x32xf32, #tpu.memory_space<vmem_shared>> -> memref<10240x32xf32, #tpu.memory_space<vmem_shared>>
        tpu.enqueue_indirect_dma source(%dma_start3A_181 : memref<10240x32xf32, #tpu.memory_space<vmem_shared>>) target(%arg7 : memref<128x32xf32, #tpu.memory_space<vmem>>) offsets(%dma_start3A_178 : memref<128xi32, #tpu.memory_space<vmem>>) semaphore(%arg13 : memref<!tpu.dma_semaphore, #tpu.memory_space<semaphore_mem>>)
      } else {
      }
      %add3A_160 = arith.constant 1 : i32
      %add3A_161 = arith.addi %add3A_122, %add3A_160 : i32
      %add3A_162 = arith.constant 2 : i32
      %add3A_163 = arith.addi %add3A_161, %add3A_162 : i32
      %lt3A_164 = arith.constant 78 : i32
      %lt3A_165 = arith.cmpi slt, %add3A_163, %lt3A_164 : i32
      %convert_element_type3A_166 = arith.extui %lt3A_165 : i1 to i32
      %cond3A_167 = arith.constant 0 : i32
      %cond3A_168 = arith.cmpi ne, %convert_element_type3A_166, %cond3A_167 : i32
      scf.if %cond3A_168 {
        %sub3A = arith.constant 2 : i32
        %sub3A_169 = arith.subi %add3A_163, %sub3A : i32
        %mul3A_170 = arith.constant 128 : i32
        %mul3A_171 = arith.muli %sub3A_169, %mul3A_170 : i32
        %dma_wait3A_172 = tpu.memref_slice %arg6[%mul3A_171] : memref<10112xi32, #tpu.memory_space<vmem>> -> memref<128xi32, #tpu.memory_space<vmem>>
        %dma_wait3A_173 = arith.constant 0 : i32
        %dma_wait3A_174 = arith.constant 0 : i32
        %dma_wait3A_175 = tpu.memref_slice %arg12[%dma_wait3A_173, %dma_wait3A_174] : memref<10240x32xf32, #tpu.memory_space<vmem_shared>> -> memref<10240x32xf32, #tpu.memory_space<vmem_shared>>
        tpu.wait_indirect_dma semaphore(%arg16 : memref<!tpu.dma_semaphore, #tpu.memory_space<semaphore_mem>>) src(%arg8 : memref<128x32xf32, #tpu.memory_space<vmem>>) dst(%dma_wait3A_175 : memref<10240x32xf32, #tpu.memory_space<vmem_shared>>)
        %mul3A_176 = arith.constant 128 : i32
        %mul3A_177 = arith.muli %add3A_163, %mul3A_176 : i32
        %dma_start3A_178 = tpu.memref_slice %arg5[%mul3A_177] : memref<10112xi32, #tpu.memory_space<vmem>> -> memref<128xi32, #tpu.memory_space<vmem>>
        %dma_start3A_179 = arith.constant 0 : i32
        %dma_start3A_180 = arith.constant 0 : i32
        %dma_start3A_181 = tpu.memref_slice %arg10[%dma_start3A_179, %dma_start3A_180] : memref<10240x32xf32, #tpu.memory_space<vmem_shared>> -> memref<10240x32xf32, #tpu.memory_space<vmem_shared>>
        tpu.enqueue_indirect_dma source(%dma_start3A_181 : memref<10240x32xf32, #tpu.memory_space<vmem_shared>>) target(%arg8 : memref<128x32xf32, #tpu.memory_space<vmem>>) offsets(%dma_start3A_178 : memref<128xi32, #tpu.memory_space<vmem>>) semaphore(%arg14 : memref<!tpu.dma_semaphore, #tpu.memory_space<semaphore_mem>>)
      } else {
      }
    }
    %scan3A_52 = arith.constant 39 : i32
    %dma_wait3A = arith.constant 9728 : i32
    %dma_wait3A_53 = tpu.memref_slice %arg6[%dma_wait3A] : memref<10112xi32, #tpu.memory_space<vmem>> -> memref<128xi32, #tpu.memory_space<vmem>>
    %dma_wait3A_54 = arith.constant 0 : i32
    %dma_wait3A_55 = arith.constant 0 : i32
    %dma_wait3A_56 = tpu.memref_slice %arg12[%dma_wait3A_54, %dma_wait3A_55] : memref<10240x32xf32, #tpu.memory_space<vmem_shared>> -> memref<10240x32xf32, #tpu.memory_space<vmem_shared>>
    tpu.wait_indirect_dma semaphore(%arg15 : memref<!tpu.dma_semaphore, #tpu.memory_space<semaphore_mem>>) src(%arg7 : memref<128x32xf32, #tpu.memory_space<vmem>>) dst(%dma_wait3A_56 : memref<10240x32xf32, #tpu.memory_space<vmem_shared>>)
    %dma_wait3A_57 = arith.constant 9856 : i32
    %dma_wait3A_58 = tpu.memref_slice %arg6[%dma_wait3A_57] : memref<10112xi32, #tpu.memory_space<vmem>> -> memref<128xi32, #tpu.memory_space<vmem>>
    %dma_wait3A_59 = arith.constant 0 : i32
    %dma_wait3A_60 = arith.constant 0 : i32
    %dma_wait3A_61 = tpu.memref_slice %arg12[%dma_wait3A_59, %dma_wait3A_60] : memref<10240x32xf32, #tpu.memory_space<vmem_shared>> -> memref<10240x32xf32, #tpu.memory_space<vmem_shared>>
    tpu.wait_indirect_dma semaphore(%arg16 : memref<!tpu.dma_semaphore, #tpu.memory_space<semaphore_mem>>) src(%arg8 : memref<128x32xf32, #tpu.memory_space<vmem>>) dst(%dma_wait3A_61 : memref<10240x32xf32, #tpu.memory_space<vmem_shared>>)
    %gt3A = arith.constant 78 : i32
    %gt3A_62 = arith.cmpi sgt, %add3A_7, %gt3A : i32
    %convert_element_type3A_63 = arith.extui %gt3A_62 : i1 to i32
    %cond3A_64 = arith.constant 0 : i32
    %cond3A_65 = arith.cmpi ne, %convert_element_type3A_63, %cond3A_64 : i32
    scf.if %cond3A_65 {
      "tpu.region"() ({
        %run_scoped3A = tpu.sem_alloc : memref<!tpu.dma_semaphore, #tpu.memory_space<semaphore_mem>>
        %dma_start3A_118 = arith.constant 9984 : i32
        %dma_start3A_119 = tpu.memref_slice %arg5[%dma_start3A_118] : memref<10112xi32, #tpu.memory_space<vmem>> -> memref<128xi32, #tpu.memory_space<vmem>>
        %dma_start3A_120 = arith.constant 0 : i32
        %dma_start3A_121 = arith.constant 0 : i32
        %dma_start3A_122 = tpu.memref_slice %arg10[%dma_start3A_120, %dma_start3A_121] : memref<10240x32xf32, #tpu.memory_space<vmem_shared>> -> memref<10240x32xf32, #tpu.memory_space<vmem_shared>>
        tpu.enqueue_indirect_dma source(%dma_start3A_122 : memref<10240x32xf32, #tpu.memory_space<vmem_shared>>) target(%arg9 : memref<128x32xf32, #tpu.memory_space<vmem>>) offsets(%dma_start3A_119 : memref<128xi32, #tpu.memory_space<vmem>>) semaphore(%run_scoped3A : memref<!tpu.dma_semaphore, #tpu.memory_space<semaphore_mem>>)
        %dma_wait3A_123 = arith.constant 9984 : i32
        %dma_wait3A_124 = tpu.memref_slice %arg5[%dma_wait3A_123] : memref<10112xi32, #tpu.memory_space<vmem>> -> memref<128xi32, #tpu.memory_space<vmem>>
        %dma_wait3A_125 = arith.constant 0 : i32
        %dma_wait3A_126 = arith.constant 0 : i32
        %dma_wait3A_127 = tpu.memref_slice %arg10[%dma_wait3A_125, %dma_wait3A_126] : memref<10240x32xf32, #tpu.memory_space<vmem_shared>> -> memref<10240x32xf32, #tpu.memory_space<vmem_shared>>
        tpu.wait_indirect_dma semaphore(%run_scoped3A : memref<!tpu.dma_semaphore, #tpu.memory_space<semaphore_mem>>) src(%dma_wait3A_127 : memref<10240x32xf32, #tpu.memory_space<vmem_shared>>) dst(%arg9 : memref<128x32xf32, #tpu.memory_space<vmem>>)
        tpu.yield
      }) : () -> ()
      "tpu.region"() ({
        %run_scoped3A = tpu.sem_alloc : memref<!tpu.dma_semaphore, #tpu.memory_space<semaphore_mem>>
        %dma_start3A_118 = arith.constant 9984 : i32
        %dma_start3A_119 = tpu.memref_slice %arg6[%dma_start3A_118] : memref<10112xi32, #tpu.memory_space<vmem>> -> memref<128xi32, #tpu.memory_space<vmem>>
        %dma_start3A_120 = arith.constant 0 : i32
        %dma_start3A_121 = arith.constant 0 : i32
        %dma_start3A_122 = tpu.memref_slice %arg12[%dma_start3A_120, %dma_start3A_121] : memref<10240x32xf32, #tpu.memory_space<vmem_shared>> -> memref<10240x32xf32, #tpu.memory_space<vmem_shared>>
        tpu.enqueue_indirect_dma source(%arg9 : memref<128x32xf32, #tpu.memory_space<vmem>>) target(%dma_start3A_122 : memref<10240x32xf32, #tpu.memory_space<vmem_shared>>) offsets(%dma_start3A_119 : memref<128xi32, #tpu.memory_space<vmem>>) semaphore(%run_scoped3A : memref<!tpu.dma_semaphore, #tpu.memory_space<semaphore_mem>>) {add = true}
        %dma_wait3A_123 = arith.constant 9984 : i32
        %dma_wait3A_124 = tpu.memref_slice %arg6[%dma_wait3A_123] : memref<10112xi32, #tpu.memory_space<vmem>> -> memref<128xi32, #tpu.memory_space<vmem>>
        %dma_wait3A_125 = arith.constant 0 : i32
        %dma_wait3A_126 = arith.constant 0 : i32
        %dma_wait3A_127 = tpu.memref_slice %arg12[%dma_wait3A_125, %dma_wait3A_126] : memref<10240x32xf32, #tpu.memory_space<vmem_shared>> -> memref<10240x32xf32, #tpu.memory_space<vmem_shared>>
        tpu.wait_indirect_dma semaphore(%run_scoped3A : memref<!tpu.dma_semaphore, #tpu.memory_space<semaphore_mem>>) src(%arg9 : memref<128x32xf32, #tpu.memory_space<vmem>>) dst(%dma_wait3A_127 : memref<10240x32xf32, #tpu.memory_space<vmem_shared>>)
        tpu.yield
      }) : () -> ()
    } else {
    }
    %barrier3A_66 = arith.constant 0 : index
    tpu.barrier barrier_id(%barrier3A_66)
    "tpu.region"() ({
      %run_scoped3A = tpu.sem_alloc : memref<!tpu.dma_semaphore, #tpu.memory_space<semaphore_mem>>
      %dma_start3A_118 = arith.constant 0 : i32
      %dma_start3A_119 = tpu.memref_slice %arg4[%arg0, %mul3A_9, %dma_start3A_118] : memref<2x10240x128xf32, #tpu.memory_space<hbm>> -> memref<1x640x32xf32, #tpu.memory_space<hbm>>
      %dma_start3A_120 = tpu.memref_squeeze %dma_start3A_119 : memref<1x640x32xf32, #tpu.memory_space<hbm>> -> memref<640x32xf32, #tpu.memory_space<hbm>>
      %dma_start3A_121 = arith.constant 0 : i32
      %dma_start3A_122 = tpu.memref_slice %arg12[%mul3A_9, %dma_start3A_121] : memref<10240x32xf32, #tpu.memory_space<vmem_shared>> -> memref<640x32xf32, #tpu.memory_space<vmem_shared>>
      tpu.enqueue_dma source(%dma_start3A_122 : memref<640x32xf32, #tpu.memory_space<vmem_shared>>) target(%dma_start3A_120 : memref<640x32xf32, #tpu.memory_space<hbm>>) target_semaphore(%run_scoped3A : memref<!tpu.dma_semaphore, #tpu.memory_space<semaphore_mem>>)
      %dma_wait3A_123 = arith.constant 0 : i32
      %dma_wait3A_124 = tpu.memref_slice %arg4[%arg0, %mul3A_9, %dma_wait3A_123] : memref<2x10240x128xf32, #tpu.memory_space<hbm>> -> memref<1x640x32xf32, #tpu.memory_space<hbm>>
      %dma_wait3A_125 = tpu.memref_squeeze %dma_wait3A_124 : memref<1x640x32xf32, #tpu.memory_space<hbm>> -> memref<640x32xf32, #tpu.memory_space<hbm>>
      %dma_wait3A_126 = arith.constant 0 : i32
      %dma_wait3A_127 = tpu.memref_slice %arg12[%mul3A_9, %dma_wait3A_126] : memref<10240x32xf32, #tpu.memory_space<vmem_shared>> -> memref<640x32xf32, #tpu.memory_space<vmem_shared>>
      tpu.wait_dma2 semaphore(%run_scoped3A : memref<!tpu.dma_semaphore, #tpu.memory_space<semaphore_mem>>) src(%dma_wait3A_127 : memref<640x32xf32, #tpu.memory_space<vmem_shared>>) dst(%dma_wait3A_125 : memref<640x32xf32, #tpu.memory_space<hbm>>)
      tpu.yield
    }) : () -> ()
    %gt3A_67 = arith.constant 78 : i32
    %gt3A_68 = arith.cmpi sgt, %add3A_7, %gt3A_67 : i32
    %convert_element_type3A_69 = arith.extui %gt3A_68 : i1 to i32
    %cond3A_70 = arith.constant 0 : i32
    %cond3A_71 = arith.cmpi ne, %convert_element_type3A_69, %cond3A_70 : i32
    scf.if %cond3A_71 {
      %scan3A_118 = arith.constant 0 : i32
      %scan3A_119 = arith.constant 128 : i32
      %scan3A_120 = arith.addi %scan3A_118, %scan3A_119 : i32
      %scan3A_121 = arith.constant 1 : i32
      scf.for %scan3A_123 = %scan3A_118 to %scan3A_120 step %scan3A_121  : i32 {
        %mul3A_124 = arith.constant 1 : i32
        %mul3A_125 = arith.muli %scan3A_123, %mul3A_124 : i32
        %add3A_126 = arith.constant 0 : i32
        %add3A_127 = arith.addi %add3A_126, %mul3A_125 : i32
        %swap3A = arith.index_cast %add3A_127 : i32 to index
        %swap3A_128 = arith.constant 0 : index
        %swap3A_129 = tpu.vector_load %arg9[%swap3A, %swap3A_128] {strides = array<i32>} : memref<128x32xf32, #tpu.memory_space<vmem>>, vector<1x16xf32>,
        %swap3A_130 = vector.shape_cast %swap3A_129 : vector<1x16xf32> to vector<16xf32>
        %swap3A_131 = vector.shape_cast %broadcast_in_dim3A_10 : vector<16xf32> to vector<1x16xf32>
        tpu.vector_store %arg9[%swap3A, %swap3A_128], %swap3A_131 {strides = array<i32>} : memref<128x32xf32, #tpu.memory_space<vmem>>, vector<1x16xf32>,
        %swap3A_132 = arith.index_cast %add3A_127 : i32 to index
        %swap3A_133 = arith.constant 16 : index
        %swap3A_134 = tpu.vector_load %arg9[%swap3A_132, %swap3A_133] {strides = array<i32>} : memref<128x32xf32, #tpu.memory_space<vmem>>, vector<1x16xf32>,
        %swap3A_135 = vector.shape_cast %swap3A_134 : vector<1x16xf32> to vector<16xf32>
        %swap3A_136 = vector.shape_cast %broadcast_in_dim3A_10 : vector<16xf32> to vector<1x16xf32>
        tpu.vector_store %arg9[%swap3A_132, %swap3A_133], %swap3A_136 {strides = array<i32>} : memref<128x32xf32, #tpu.memory_space<vmem>>, vector<1x16xf32>,
      }
      %scan3A_122 = arith.constant 128 : i32
    } else {
    }
    %dma_wait3A_72 = arith.constant 0 : i32
    %dma_wait3A_73 = tpu.memref_slice %arg11[%mul3A_9, %dma_wait3A_72] : memref<10240x32xf32, #tpu.memory_space<vmem_shared>> -> memref<640x32xf32, #tpu.memory_space<vmem_shared>>
    %dma_wait3A_74 = arith.constant 32 : i32
    %dma_wait3A_75 = tpu.memref_slice %arg2[%mul3A_9, %dma_wait3A_74] : memref<10240x128xf32, #tpu.memory_space<hbm>> -> memref<640x32xf32, #tpu.memory_space<hbm>>
    tpu.wait_dma2 semaphore(%arg17 : memref<!tpu.dma_semaphore, #tpu.memory_space<semaphore_mem>>) src(%dma_wait3A_75 : memref<640x32xf32, #tpu.memory_space<hbm>>) dst(%dma_wait3A_73 : memref<640x32xf32, #tpu.memory_space<vmem_shared>>)
    %add3A_76 = arith.constant 0 : i32
    %add3A_77 = arith.addi %mul3A_9, %add3A_76 : i32
    "tpu.region"() ({
      %run_scoped3A = tpu.sem_alloc : memref<!tpu.dma_semaphore, #tpu.memory_space<semaphore_mem>>
      %dma_start3A_118 = arith.constant 0 : i32
      %dma_start3A_119 = tpu.memref_slice %arg12[%add3A_77, %dma_start3A_118] : memref<10240x32xf32, #tpu.memory_space<vmem_shared>> -> memref<128x32xf32, #tpu.memory_space<vmem_shared>>
      %dma_start3A_120 = arith.constant 0 : i32
      %dma_start3A_121 = tpu.memref_slice %arg12[%add3A_77, %dma_start3A_120] : memref<10240x32xf32, #tpu.memory_space<vmem_shared>> -> memref<128x32xf32, #tpu.memory_space<vmem_shared>>
      tpu.enqueue_dma source(%arg9 : memref<128x32xf32, #tpu.memory_space<vmem>>) target(%dma_start3A_121 : memref<128x32xf32, #tpu.memory_space<vmem_shared>>) target_semaphore(%run_scoped3A : memref<!tpu.dma_semaphore, #tpu.memory_space<semaphore_mem>>)
      %dma_wait3A_122 = arith.constant 0 : i32
      %dma_wait3A_123 = tpu.memref_slice %arg12[%add3A_77, %dma_wait3A_122] : memref<10240x32xf32, #tpu.memory_space<vmem_shared>> -> memref<128x32xf32, #tpu.memory_space<vmem_shared>>
      %dma_wait3A_124 = arith.constant 0 : i32
      %dma_wait3A_125 = tpu.memref_slice %arg12[%add3A_77, %dma_wait3A_124] : memref<10240x32xf32, #tpu.memory_space<vmem_shared>> -> memref<128x32xf32, #tpu.memory_space<vmem_shared>>
      tpu.wait_dma2 semaphore(%run_scoped3A : memref<!tpu.dma_semaphore, #tpu.memory_space<semaphore_mem>>) src(%arg9 : memref<128x32xf32, #tpu.memory_space<vmem>>) dst(%dma_wait3A_125 : memref<128x32xf32, #tpu.memory_space<vmem_shared>>)
      tpu.yield
    }) : () -> ()
    %add3A_78 = arith.constant 128 : i32
    %add3A_79 = arith.addi %mul3A_9, %add3A_78 : i32
    "tpu.region"() ({
      %run_scoped3A = tpu.sem_alloc : memref<!tpu.dma_semaphore, #tpu.memory_space<semaphore_mem>>
      %dma_start3A_118 = arith.constant 0 : i32
      %dma_start3A_119 = tpu.memref_slice %arg12[%add3A_79, %dma_start3A_118] : memref<10240x32xf32, #tpu.memory_space<vmem_shared>> -> memref<128x32xf32, #tpu.memory_space<vmem_shared>>
      %dma_start3A_120 = arith.constant 0 : i32
      %dma_start3A_121 = tpu.memref_slice %arg12[%add3A_79, %dma_start3A_120] : memref<10240x32xf32, #tpu.memory_space<vmem_shared>> -> memref<128x32xf32, #tpu.memory_space<vmem_shared>>
      tpu.enqueue_dma source(%arg9 : memref<128x32xf32, #tpu.memory_space<vmem>>) target(%dma_start3A_121 : memref<128x32xf32, #tpu.memory_space<vmem_shared>>) target_semaphore(%run_scoped3A : memref<!tpu.dma_semaphore, #tpu.memory_space<semaphore_mem>>)
      %dma_wait3A_122 = arith.constant 0 : i32
      %dma_wait3A_123 = tpu.memref_slice %arg12[%add3A_79, %dma_wait3A_122] : memref<10240x32xf32, #tpu.memory_space<vmem_shared>> -> memref<128x32xf32, #tpu.memory_space<vmem_shared>>
      %dma_wait3A_124 = arith.constant 0 : i32
      %dma_wait3A_125 = tpu.memref_slice %arg12[%add3A_79, %dma_wait3A_124] : memref<10240x32xf32, #tpu.memory_space<vmem_shared>> -> memref<128x32xf32, #tpu.memory_space<vmem_shared>>
      tpu.wait_dma2 semaphore(%run_scoped3A : memref<!tpu.dma_semaphore, #tpu.memory_space<semaphore_mem>>) src(%arg9 : memref<128x32xf32, #tpu.memory_space<vmem>>) dst(%dma_wait3A_125 : memref<128x32xf32, #tpu.memory_space<vmem_shared>>)
      tpu.yield
    }) : () -> ()
    %add3A_80 = arith.constant 256 : i32
    %add3A_81 = arith.addi %mul3A_9, %add3A_80 : i32
    "tpu.region"() ({
      %run_scoped3A = tpu.sem_alloc : memref<!tpu.dma_semaphore, #tpu.memory_space<semaphore_mem>>
      %dma_start3A_118 = arith.constant 0 : i32
      %dma_start3A_119 = tpu.memref_slice %arg12[%add3A_81, %dma_start3A_118] : memref<10240x32xf32, #tpu.memory_space<vmem_shared>> -> memref<128x32xf32, #tpu.memory_space<vmem_shared>>
      %dma_start3A_120 = arith.constant 0 : i32
      %dma_start3A_121 = tpu.memref_slice %arg12[%add3A_81, %dma_start3A_120] : memref<10240x32xf32, #tpu.memory_space<vmem_shared>> -> memref<128x32xf32, #tpu.memory_space<vmem_shared>>
      tpu.enqueue_dma source(%arg9 : memref<128x32xf32, #tpu.memory_space<vmem>>) target(%dma_start3A_121 : memref<128x32xf32, #tpu.memory_space<vmem_shared>>) target_semaphore(%run_scoped3A : memref<!tpu.dma_semaphore, #tpu.memory_space<semaphore_mem>>)
      %dma_wait3A_122 = arith.constant 0 : i32
      %dma_wait3A_123 = tpu.memref_slice %arg12[%add3A_81, %dma_wait3A_122] : memref<10240x32xf32, #tpu.memory_space<vmem_shared>> -> memref<128x32xf32, #tpu.memory_space<vmem_shared>>
      %dma_wait3A_124 = arith.constant 0 : i32
      %dma_wait3A_125 = tpu.memref_slice %arg12[%add3A_81, %dma_wait3A_124] : memref<10240x32xf32, #tpu.memory_space<vmem_shared>> -> memref<128x32xf32, #tpu.memory_space<vmem_shared>>
      tpu.wait_dma2 semaphore(%run_scoped3A : memref<!tpu.dma_semaphore, #tpu.memory_space<semaphore_mem>>) src(%arg9 : memref<128x32xf32, #tpu.memory_space<vmem>>) dst(%dma_wait3A_125 : memref<128x32xf32, #tpu.memory_space<vmem_shared>>)
      tpu.yield
    }) : () -> ()
    %add3A_82 = arith.constant 384 : i32
    %add3A_83 = arith.addi %mul3A_9, %add3A_82 : i32
    "tpu.region"() ({
      %run_scoped3A = tpu.sem_alloc : memref<!tpu.dma_semaphore, #tpu.memory_space<semaphore_mem>>
      %dma_start3A_118 = arith.constant 0 : i32
      %dma_start3A_119 = tpu.memref_slice %arg12[%add3A_83, %dma_start3A_118] : memref<10240x32xf32, #tpu.memory_space<vmem_shared>> -> memref<128x32xf32, #tpu.memory_space<vmem_shared>>
      %dma_start3A_120 = arith.constant 0 : i32
      %dma_start3A_121 = tpu.memref_slice %arg12[%add3A_83, %dma_start3A_120] : memref<10240x32xf32, #tpu.memory_space<vmem_shared>> -> memref<128x32xf32, #tpu.memory_space<vmem_shared>>
      tpu.enqueue_dma source(%arg9 : memref<128x32xf32, #tpu.memory_space<vmem>>) target(%dma_start3A_121 : memref<128x32xf32, #tpu.memory_space<vmem_shared>>) target_semaphore(%run_scoped3A : memref<!tpu.dma_semaphore, #tpu.memory_space<semaphore_mem>>)
      %dma_wait3A_122 = arith.constant 0 : i32
      %dma_wait3A_123 = tpu.memref_slice %arg12[%add3A_83, %dma_wait3A_122] : memref<10240x32xf32, #tpu.memory_space<vmem_shared>> -> memref<128x32xf32, #tpu.memory_space<vmem_shared>>
      %dma_wait3A_124 = arith.constant 0 : i32
      %dma_wait3A_125 = tpu.memref_slice %arg12[%add3A_83, %dma_wait3A_124] : memref<10240x32xf32, #tpu.memory_space<vmem_shared>> -> memref<128x32xf32, #tpu.memory_space<vmem_shared>>
      tpu.wait_dma2 semaphore(%run_scoped3A : memref<!tpu.dma_semaphore, #tpu.memory_space<semaphore_mem>>) src(%arg9 : memref<128x32xf32, #tpu.memory_space<vmem>>) dst(%dma_wait3A_125 : memref<128x32xf32, #tpu.memory_space<vmem_shared>>)
      tpu.yield
    }) : () -> ()
    %add3A_84 = arith.constant 512 : i32
    %add3A_85 = arith.addi %mul3A_9, %add3A_84 : i32
    "tpu.region"() ({
      %run_scoped3A = tpu.sem_alloc : memref<!tpu.dma_semaphore, #tpu.memory_space<semaphore_mem>>
      %dma_start3A_118 = arith.constant 0 : i32
      %dma_start3A_119 = tpu.memref_slice %arg12[%add3A_85, %dma_start3A_118] : memref<10240x32xf32, #tpu.memory_space<vmem_shared>> -> memref<128x32xf32, #tpu.memory_space<vmem_shared>>
      %dma_start3A_120 = arith.constant 0 : i32
      %dma_start3A_121 = tpu.memref_slice %arg12[%add3A_85, %dma_start3A_120] : memref<10240x32xf32, #tpu.memory_space<vmem_shared>> -> memref<128x32xf32, #tpu.memory_space<vmem_shared>>
      tpu.enqueue_dma source(%arg9 : memref<128x32xf32, #tpu.memory_space<vmem>>) target(%dma_start3A_121 : memref<128x32xf32, #tpu.memory_space<vmem_shared>>) target_semaphore(%run_scoped3A : memref<!tpu.dma_semaphore, #tpu.memory_space<semaphore_mem>>)
      %dma_wait3A_122 = arith.constant 0 : i32
      %dma_wait3A_123 = tpu.memref_slice %arg12[%add3A_85, %dma_wait3A_122] : memref<10240x32xf32, #tpu.memory_space<vmem_shared>> -> memref<128x32xf32, #tpu.memory_space<vmem_shared>>
      %dma_wait3A_124 = arith.constant 0 : i32
      %dma_wait3A_125 = tpu.memref_slice %arg12[%add3A_85, %dma_wait3A_124] : memref<10240x32xf32, #tpu.memory_space<vmem_shared>> -> memref<128x32xf32, #tpu.memory_space<vmem_shared>>
      tpu.wait_dma2 semaphore(%run_scoped3A : memref<!tpu.dma_semaphore, #tpu.memory_space<semaphore_mem>>) src(%arg9 : memref<128x32xf32, #tpu.memory_space<vmem>>) dst(%dma_wait3A_125 : memref<128x32xf32, #tpu.memory_space<vmem_shared>>)
      tpu.yield
    }) : () -> ()
    %barrier3A_86 = arith.constant 0 : index
    tpu.barrier barrier_id(%barrier3A_86)
    %dma_start3A_87 = arith.constant 0 : i32
    %dma_start3A_88 = tpu.memref_slice %arg5[%dma_start3A_87] : memref<10112xi32, #tpu.memory_space<vmem>> -> memref<128xi32, #tpu.memory_space<vmem>>
    %dma_start3A_89 = arith.constant 0 : i32
    %dma_start3A_90 = arith.constant 0 : i32
    %dma_start3A_91 = tpu.memref_slice %arg11[%dma_start3A_89, %dma_start3A_90] : memref<10240x32xf32, #tpu.memory_space<vmem_shared>> -> memref<10240x32xf32, #tpu.memory_space<vmem_shared>>
    tpu.enqueue_indirect_dma source(%dma_start3A_91 : memref<10240x32xf32, #tpu.memory_space<vmem_shared>>) target(%arg7 : memref<128x32xf32, #tpu.memory_space<vmem>>) offsets(%dma_start3A_88 : memref<128xi32, #tpu.memory_space<vmem>>) semaphore(%arg13 : memref<!tpu.dma_semaphore, #tpu.memory_space<semaphore_mem>>)
    %dma_start3A_92 = arith.constant 128 : i32
    %dma_start3A_93 = tpu.memref_slice %arg5[%dma_start3A_92] : memref<10112xi32, #tpu.memory_space<vmem>> -> memref<128xi32, #tpu.memory_space<vmem>>
    %dma_start3A_94 = arith.constant 0 : i32
    %dma_start3A_95 = arith.constant 0 : i32
    %dma_start3A_96 = tpu.memref_slice %arg11[%dma_start3A_94, %dma_start3A_95] : memref<10240x32xf32, #tpu.memory_space<vmem_shared>> -> memref<10240x32xf32, #tpu.memory_space<vmem_shared>>
    tpu.enqueue_indirect_dma source(%dma_start3A_96 : memref<10240x32xf32, #tpu.memory_space<vmem_shared>>) target(%arg8 : memref<128x32xf32, #tpu.memory_space<vmem>>) offsets(%dma_start3A_93 : memref<128xi32, #tpu.memory_space<vmem>>) semaphore(%arg14 : memref<!tpu.dma_semaphore, #tpu.memory_space<semaphore_mem>>)
    %scan3A_97 = arith.constant 0 : i32
    %scan3A_98 = arith.constant 39 : i32
    %scan3A_99 = arith.addi %scan3A_97, %scan3A_98 : i32
    %scan3A_100 = arith.constant 1 : i32
    scf.for %scan3A_118 = %scan3A_97 to %scan3A_99 step %scan3A_100  : i32 {
      %mul3A_119 = arith.constant 2 : i32
      %mul3A_120 = arith.muli %scan3A_118, %mul3A_119 : i32
      %add3A_121 = arith.constant 0 : i32
      %add3A_122 = arith.addi %add3A_121, %mul3A_120 : i32
      %add3A_123 = arith.constant 0 : i32
      %add3A_124 = arith.addi %add3A_122, %add3A_123 : i32
      %mul3A_125 = arith.constant 128 : i32
      %mul3A_126 = arith.muli %add3A_124, %mul3A_125 : i32
      %dma_wait3A_127 = tpu.memref_slice %arg5[%mul3A_126] : memref<10112xi32, #tpu.memory_space<vmem>> -> memref<128xi32, #tpu.memory_space<vmem>>
      %dma_wait3A_128 = arith.constant 0 : i32
      %dma_wait3A_129 = arith.constant 0 : i32
      %dma_wait3A_130 = tpu.memref_slice %arg11[%dma_wait3A_128, %dma_wait3A_129] : memref<10240x32xf32, #tpu.memory_space<vmem_shared>> -> memref<10240x32xf32, #tpu.memory_space<vmem_shared>>
      tpu.wait_indirect_dma semaphore(%arg13 : memref<!tpu.dma_semaphore, #tpu.memory_space<semaphore_mem>>) src(%dma_wait3A_130 : memref<10240x32xf32, #tpu.memory_space<vmem_shared>>) dst(%arg7 : memref<128x32xf32, #tpu.memory_space<vmem>>)
      %mul3A_131 = arith.constant 128 : i32
      %mul3A_132 = arith.muli %add3A_124, %mul3A_131 : i32
      %dma_start3A_133 = tpu.memref_slice %arg6[%mul3A_132] : memref<10112xi32, #tpu.memory_space<vmem>> -> memref<128xi32, #tpu.memory_space<vmem>>
      %dma_start3A_134 = arith.constant 0 : i32
      %dma_start3A_135 = arith.constant 0 : i32
      %dma_start3A_136 = tpu.memref_slice %arg12[%dma_start3A_134, %dma_start3A_135] : memref<10240x32xf32, #tpu.memory_space<vmem_shared>> -> memref<10240x32xf32, #tpu.memory_space<vmem_shared>>
      tpu.enqueue_indirect_dma source(%arg7 : memref<128x32xf32, #tpu.memory_space<vmem>>) target(%dma_start3A_136 : memref<10240x32xf32, #tpu.memory_space<vmem_shared>>) offsets(%dma_start3A_133 : memref<128xi32, #tpu.memory_space<vmem>>) semaphore(%arg15 : memref<!tpu.dma_semaphore, #tpu.memory_space<semaphore_mem>>) {add = true}
      %add3A_137 = arith.constant 1 : i32
      %add3A_138 = arith.addi %add3A_122, %add3A_137 : i32
      %mul3A_139 = arith.constant 128 : i32
      %mul3A_140 = arith.muli %add3A_138, %mul3A_139 : i32
      %dma_wait3A_141 = tpu.memref_slice %arg5[%mul3A_140] : memref<10112xi32, #tpu.memory_space<vmem>> -> memref<128xi32, #tpu.memory_space<vmem>>
      %dma_wait3A_142 = arith.constant 0 : i32
      %dma_wait3A_143 = arith.constant 0 : i32
      %dma_wait3A_144 = tpu.memref_slice %arg11[%dma_wait3A_142, %dma_wait3A_143] : memref<10240x32xf32, #tpu.memory_space<vmem_shared>> -> memref<10240x32xf32, #tpu.memory_space<vmem_shared>>
      tpu.wait_indirect_dma semaphore(%arg14 : memref<!tpu.dma_semaphore, #tpu.memory_space<semaphore_mem>>) src(%dma_wait3A_144 : memref<10240x32xf32, #tpu.memory_space<vmem_shared>>) dst(%arg8 : memref<128x32xf32, #tpu.memory_space<vmem>>)
      %mul3A_145 = arith.constant 128 : i32
      %mul3A_146 = arith.muli %add3A_138, %mul3A_145 : i32
      %dma_start3A_147 = tpu.memref_slice %arg6[%mul3A_146] : memref<10112xi32, #tpu.memory_space<vmem>> -> memref<128xi32, #tpu.memory_space<vmem>>
      %dma_start3A_148 = arith.constant 0 : i32
      %dma_start3A_149 = arith.constant 0 : i32
      %dma_start3A_150 = tpu.memref_slice %arg12[%dma_start3A_148, %dma_start3A_149] : memref<10240x32xf32, #tpu.memory_space<vmem_shared>> -> memref<10240x32xf32, #tpu.memory_space<vmem_shared>>
      tpu.enqueue_indirect_dma source(%arg8 : memref<128x32xf32, #tpu.memory_space<vmem>>) target(%dma_start3A_150 : memref<10240x32xf32, #tpu.memory_space<vmem_shared>>) offsets(%dma_start3A_147 : memref<128xi32, #tpu.memory_space<vmem>>) semaphore(%arg16 : memref<!tpu.dma_semaphore, #tpu.memory_space<semaphore_mem>>) {add = true}
      %add3A_151 = arith.constant 0 : i32
      %add3A_152 = arith.addi %add3A_122, %add3A_151 : i32
      %add3A_153 = arith.constant 2 : i32
      %add3A_154 = arith.addi %add3A_152, %add3A_153 : i32
      %lt3A_155 = arith.constant 78 : i32
      %lt3A_156 = arith.cmpi slt, %add3A_154, %lt3A_155 : i32
      %convert_element_type3A_157 = arith.extui %lt3A_156 : i1 to i32
      %cond3A_158 = arith.constant 0 : i32
      %cond3A_159 = arith.cmpi ne, %convert_element_type3A_157, %cond3A_158 : i32
      scf.if %cond3A_159 {
        %sub3A = arith.constant 2 : i32
        %sub3A_169 = arith.subi %add3A_154, %sub3A : i32
        %mul3A_170 = arith.constant 128 : i32
        %mul3A_171 = arith.muli %sub3A_169, %mul3A_170 : i32
        %dma_wait3A_172 = tpu.memref_slice %arg6[%mul3A_171] : memref<10112xi32, #tpu.memory_space<vmem>> -> memref<128xi32, #tpu.memory_space<vmem>>
        %dma_wait3A_173 = arith.constant 0 : i32
        %dma_wait3A_174 = arith.constant 0 : i32
        %dma_wait3A_175 = tpu.memref_slice %arg12[%dma_wait3A_173, %dma_wait3A_174] : memref<10240x32xf32, #tpu.memory_space<vmem_shared>> -> memref<10240x32xf32, #tpu.memory_space<vmem_shared>>
        tpu.wait_indirect_dma semaphore(%arg15 : memref<!tpu.dma_semaphore, #tpu.memory_space<semaphore_mem>>) src(%arg7 : memref<128x32xf32, #tpu.memory_space<vmem>>) dst(%dma_wait3A_175 : memref<10240x32xf32, #tpu.memory_space<vmem_shared>>)
        %mul3A_176 = arith.constant 128 : i32
        %mul3A_177 = arith.muli %add3A_154, %mul3A_176 : i32
        %dma_start3A_178 = tpu.memref_slice %arg5[%mul3A_177] : memref<10112xi32, #tpu.memory_space<vmem>> -> memref<128xi32, #tpu.memory_space<vmem>>
        %dma_start3A_179 = arith.constant 0 : i32
        %dma_start3A_180 = arith.constant 0 : i32
        %dma_start3A_181 = tpu.memref_slice %arg11[%dma_start3A_179, %dma_start3A_180] : memref<10240x32xf32, #tpu.memory_space<vmem_shared>> -> memref<10240x32xf32, #tpu.memory_space<vmem_shared>>
        tpu.enqueue_indirect_dma source(%dma_start3A_181 : memref<10240x32xf32, #tpu.memory_space<vmem_shared>>) target(%arg7 : memref<128x32xf32, #tpu.memory_space<vmem>>) offsets(%dma_start3A_178 : memref<128xi32, #tpu.memory_space<vmem>>) semaphore(%arg13 : memref<!tpu.dma_semaphore, #tpu.memory_space<semaphore_mem>>)
      } else {
      }
      %add3A_160 = arith.constant 1 : i32
      %add3A_161 = arith.addi %add3A_122, %add3A_160 : i32
      %add3A_162 = arith.constant 2 : i32
      %add3A_163 = arith.addi %add3A_161, %add3A_162 : i32
      %lt3A_164 = arith.constant 78 : i32
      %lt3A_165 = arith.cmpi slt, %add3A_163, %lt3A_164 : i32
      %convert_element_type3A_166 = arith.extui %lt3A_165 : i1 to i32
      %cond3A_167 = arith.constant 0 : i32
      %cond3A_168 = arith.cmpi ne, %convert_element_type3A_166, %cond3A_167 : i32
      scf.if %cond3A_168 {
        %sub3A = arith.constant 2 : i32
        %sub3A_169 = arith.subi %add3A_163, %sub3A : i32
        %mul3A_170 = arith.constant 128 : i32
        %mul3A_171 = arith.muli %sub3A_169, %mul3A_170 : i32
        %dma_wait3A_172 = tpu.memref_slice %arg6[%mul3A_171] : memref<10112xi32, #tpu.memory_space<vmem>> -> memref<128xi32, #tpu.memory_space<vmem>>
        %dma_wait3A_173 = arith.constant 0 : i32
        %dma_wait3A_174 = arith.constant 0 : i32
        %dma_wait3A_175 = tpu.memref_slice %arg12[%dma_wait3A_173, %dma_wait3A_174] : memref<10240x32xf32, #tpu.memory_space<vmem_shared>> -> memref<10240x32xf32, #tpu.memory_space<vmem_shared>>
        tpu.wait_indirect_dma semaphore(%arg16 : memref<!tpu.dma_semaphore, #tpu.memory_space<semaphore_mem>>) src(%arg8 : memref<128x32xf32, #tpu.memory_space<vmem>>) dst(%dma_wait3A_175 : memref<10240x32xf32, #tpu.memory_space<vmem_shared>>)
        %mul3A_176 = arith.constant 128 : i32
        %mul3A_177 = arith.muli %add3A_163, %mul3A_176 : i32
        %dma_start3A_178 = tpu.memref_slice %arg5[%mul3A_177] : memref<10112xi32, #tpu.memory_space<vmem>> -> memref<128xi32, #tpu.memory_space<vmem>>
        %dma_start3A_179 = arith.constant 0 : i32
        %dma_start3A_180 = arith.constant 0 : i32
        %dma_start3A_181 = tpu.memref_slice %arg11[%dma_start3A_179, %dma_start3A_180] : memref<10240x32xf32, #tpu.memory_space<vmem_shared>> -> memref<10240x32xf32, #tpu.memory_space<vmem_shared>>
        tpu.enqueue_indirect_dma source(%dma_start3A_181 : memref<10240x32xf32, #tpu.memory_space<vmem_shared>>) target(%arg8 : memref<128x32xf32, #tpu.memory_space<vmem>>) offsets(%dma_start3A_178 : memref<128xi32, #tpu.memory_space<vmem>>) semaphore(%arg14 : memref<!tpu.dma_semaphore, #tpu.memory_space<semaphore_mem>>)
      } else {
      }
    }
    %scan3A_101 = arith.constant 39 : i32
    %dma_wait3A_102 = arith.constant 9728 : i32
    %dma_wait3A_103 = tpu.memref_slice %arg6[%dma_wait3A_102] : memref<10112xi32, #tpu.memory_space<vmem>> -> memref<128xi32, #tpu.memory_space<vmem>>
    %dma_wait3A_104 = arith.constant 0 : i32
    %dma_wait3A_105 = arith.constant 0 : i32
    %dma_wait3A_106 = tpu.memref_slice %arg12[%dma_wait3A_104, %dma_wait3A_105] : memref<10240x32xf32, #tpu.memory_space<vmem_shared>> -> memref<10240x32xf32, #tpu.memory_space<vmem_shared>>
    tpu.wait_indirect_dma semaphore(%arg15 : memref<!tpu.dma_semaphore, #tpu.memory_space<semaphore_mem>>) src(%arg7 : memref<128x32xf32, #tpu.memory_space<vmem>>) dst(%dma_wait3A_106 : memref<10240x32xf32, #tpu.memory_space<vmem_shared>>)
    %dma_wait3A_107 = arith.constant 9856 : i32
    %dma_wait3A_108 = tpu.memref_slice %arg6[%dma_wait3A_107] : memref<10112xi32, #tpu.memory_space<vmem>> -> memref<128xi32, #tpu.memory_space<vmem>>
    %dma_wait3A_109 = arith.constant 0 : i32
    %dma_wait3A_110 = arith.constant 0 : i32
    %dma_wait3A_111 = tpu.memref_slice %arg12[%dma_wait3A_109, %dma_wait3A_110] : memref<10240x32xf32, #tpu.memory_space<vmem_shared>> -> memref<10240x32xf32, #tpu.memory_space<vmem_shared>>
    tpu.wait_indirect_dma semaphore(%arg16 : memref<!tpu.dma_semaphore, #tpu.memory_space<semaphore_mem>>) src(%arg8 : memref<128x32xf32, #tpu.memory_space<vmem>>) dst(%dma_wait3A_111 : memref<10240x32xf32, #tpu.memory_space<vmem_shared>>)
    %gt3A_112 = arith.constant 78 : i32
    %gt3A_113 = arith.cmpi sgt, %add3A_7, %gt3A_112 : i32
    %convert_element_type3A_114 = arith.extui %gt3A_113 : i1 to i32
    %cond3A_115 = arith.constant 0 : i32
    %cond3A_116 = arith.cmpi ne, %convert_element_type3A_114, %cond3A_115 : i32
    scf.if %cond3A_116 {
      "tpu.region"() ({
        %run_scoped3A = tpu.sem_alloc : memref<!tpu.dma_semaphore, #tpu.memory_space<semaphore_mem>>
        %dma_start3A_118 = arith.constant 9984 : i32
        %dma_start3A_119 = tpu.memref_slice %arg5[%dma_start3A_118] : memref<10112xi32, #tpu.memory_space<vmem>> -> memref<128xi32, #tpu.memory_space<vmem>>
        %dma_start3A_120 = arith.constant 0 : i32
        %dma_start3A_121 = arith.constant 0 : i32
        %dma_start3A_122 = tpu.memref_slice %arg11[%dma_start3A_120, %dma_start3A_121] : memref<10240x32xf32, #tpu.memory_space<vmem_shared>> -> memref<10240x32xf32, #tpu.memory_space<vmem_shared>>
        tpu.enqueue_indirect_dma source(%dma_start3A_122 : memref<10240x32xf32, #tpu.memory_space<vmem_shared>>) target(%arg9 : memref<128x32xf32, #tpu.memory_space<vmem>>) offsets(%dma_start3A_119 : memref<128xi32, #tpu.memory_space<vmem>>) semaphore(%run_scoped3A : memref<!tpu.dma_semaphore, #tpu.memory_space<semaphore_mem>>)
        %dma_wait3A_123 = arith.constant 9984 : i32
        %dma_wait3A_124 = tpu.memref_slice %arg5[%dma_wait3A_123] : memref<10112xi32, #tpu.memory_space<vmem>> -> memref<128xi32, #tpu.memory_space<vmem>>
        %dma_wait3A_125 = arith.constant 0 : i32
        %dma_wait3A_126 = arith.constant 0 : i32
        %dma_wait3A_127 = tpu.memref_slice %arg11[%dma_wait3A_125, %dma_wait3A_126] : memref<10240x32xf32, #tpu.memory_space<vmem_shared>> -> memref<10240x32xf32, #tpu.memory_space<vmem_shared>>
        tpu.wait_indirect_dma semaphore(%run_scoped3A : memref<!tpu.dma_semaphore, #tpu.memory_space<semaphore_mem>>) src(%dma_wait3A_127 : memref<10240x32xf32, #tpu.memory_space<vmem_shared>>) dst(%arg9 : memref<128x32xf32, #tpu.memory_space<vmem>>)
        tpu.yield
      }) : () -> ()
      "tpu.region"() ({
        %run_scoped3A = tpu.sem_alloc : memref<!tpu.dma_semaphore, #tpu.memory_space<semaphore_mem>>
        %dma_start3A_118 = arith.constant 9984 : i32
        %dma_start3A_119 = tpu.memref_slice %arg6[%dma_start3A_118] : memref<10112xi32, #tpu.memory_space<vmem>> -> memref<128xi32, #tpu.memory_space<vmem>>
        %dma_start3A_120 = arith.constant 0 : i32
        %dma_start3A_121 = arith.constant 0 : i32
        %dma_start3A_122 = tpu.memref_slice %arg12[%dma_start3A_120, %dma_start3A_121] : memref<10240x32xf32, #tpu.memory_space<vmem_shared>> -> memref<10240x32xf32, #tpu.memory_space<vmem_shared>>
        tpu.enqueue_indirect_dma source(%arg9 : memref<128x32xf32, #tpu.memory_space<vmem>>) target(%dma_start3A_122 : memref<10240x32xf32, #tpu.memory_space<vmem_shared>>) offsets(%dma_start3A_119 : memref<128xi32, #tpu.memory_space<vmem>>) semaphore(%run_scoped3A : memref<!tpu.dma_semaphore, #tpu.memory_space<semaphore_mem>>) {add = true}
        %dma_wait3A_123 = arith.constant 9984 : i32
        %dma_wait3A_124 = tpu.memref_slice %arg6[%dma_wait3A_123] : memref<10112xi32, #tpu.memory_space<vmem>> -> memref<128xi32, #tpu.memory_space<vmem>>
        %dma_wait3A_125 = arith.constant 0 : i32
        %dma_wait3A_126 = arith.constant 0 : i32
        %dma_wait3A_127 = tpu.memref_slice %arg12[%dma_wait3A_125, %dma_wait3A_126] : memref<10240x32xf32, #tpu.memory_space<vmem_shared>> -> memref<10240x32xf32, #tpu.memory_space<vmem_shared>>
        tpu.wait_indirect_dma semaphore(%run_scoped3A : memref<!tpu.dma_semaphore, #tpu.memory_space<semaphore_mem>>) src(%arg9 : memref<128x32xf32, #tpu.memory_space<vmem>>) dst(%dma_wait3A_127 : memref<10240x32xf32, #tpu.memory_space<vmem_shared>>)
        tpu.yield
      }) : () -> ()
    } else {
    }
    %barrier3A_117 = arith.constant 0 : index
    tpu.barrier barrier_id(%barrier3A_117)
    "tpu.region"() ({
      %run_scoped3A = tpu.sem_alloc : memref<!tpu.dma_semaphore, #tpu.memory_space<semaphore_mem>>
      %dma_start3A_118 = arith.constant 32 : i32
      %dma_start3A_119 = tpu.memref_slice %arg4[%arg0, %mul3A_9, %dma_start3A_118] : memref<2x10240x128xf32, #tpu.memory_space<hbm>> -> memref<1x640x32xf32, #tpu.memory_space<hbm>>
      %dma_start3A_120 = tpu.memref_squeeze %dma_start3A_119 : memref<1x640x32xf32, #tpu.memory_space<hbm>> -> memref<640x32xf32, #tpu.memory_space<hbm>>
      %dma_start3A_121 = arith.constant 0 : i32
      %dma_start3A_122 = tpu.memref_slice %arg12[%mul3A_9, %dma_start3A_121] : memref<10240x32xf32, #tpu.memory_space<vmem_shared>> -> memref<640x32xf32, #tpu.memory_space<vmem_shared>>
      tpu.enqueue_dma source(%dma_start3A_122 : memref<640x32xf32, #tpu.memory_space<vmem_shared>>) target(%dma_start3A_120 : memref<640x32xf32, #tpu.memory_space<hbm>>) target_semaphore(%run_scoped3A : memref<!tpu.dma_semaphore, #tpu.memory_space<semaphore_mem>>)
      %dma_wait3A_123 = arith.constant 32 : i32
      %dma_wait3A_124 = tpu.memref_slice %arg4[%arg0, %mul3A_9, %dma_wait3A_123] : memref<2x10240x128xf32, #tpu.memory_space<hbm>> -> memref<1x640x32xf32, #tpu.memory_space<hbm>>
      %dma_wait3A_125 = tpu.memref_squeeze %dma_wait3A_124 : memref<1x640x32xf32, #tpu.memory_space<hbm>> -> memref<640x32xf32, #tpu.memory_space<hbm>>
      %dma_wait3A_126 = arith.constant 0 : i32
      %dma_wait3A_127 = tpu.memref_slice %arg12[%mul3A_9, %dma_wait3A_126] : memref<10240x32xf32, #tpu.memory_space<vmem_shared>> -> memref<640x32xf32, #tpu.memory_space<vmem_shared>>
      tpu.wait_dma2 semaphore(%run_scoped3A : memref<!tpu.dma_semaphore, #tpu.memory_space<semaphore_mem>>) src(%dma_wait3A_127 : memref<640x32xf32, #tpu.memory_space<vmem_shared>>) dst(%dma_wait3A_125 : memref<640x32xf32, #tpu.memory_space<hbm>>)
      tpu.yield
    }) : () -> ()
    return
  }
}

#map = affine_map<(d0, d1) -> (0, 0)>
module attributes {stable_mosaic.version = 14 : i64} {
  func.func @_deg_kernel(%arg0: i32, %arg1: i32, %arg2: memref<2x320000xi32, #tpu.memory_space<hbm>>, %arg3: memref<2x10240xf32, #tpu.memory_space<hbm>>, %arg4: memref<10112xi32, #tpu.memory_space<vmem>>, %arg5: memref<128xf32, #tpu.memory_space<vmem>>, %arg6: memref<128xf32, #tpu.memory_space<vmem>>, %arg7: memref<10240xf32, #tpu.memory_space<vmem_shared>>) attributes {dimension_semantics = [#tpu.dimension_semantics<core_parallel>, #tpu.dimension_semantics<subcore_parallel>], iteration_bounds = array<i64: 2, 16>, scalar_prefetch = 0 : i64, scratch_operands = 4 : i64, tpu.core_type = #tpu.core_type<sc_vector_subcore>, window_params = [{transform_indices = #map}, {transform_indices = #map}]} {
    %mul3A = arith.constant 16 : i32
    %mul3A_0 = arith.muli %arg0, %mul3A : i32
    %add3A = arith.addi %mul3A_0, %arg1 : i32
    %lt3A = arith.constant 4 : i32
    %lt3A_1 = arith.cmpi slt, %add3A, %lt3A : i32
    %convert_element_type3A = arith.extui %lt3A_1 : i1 to i32
    %mul3A_2 = arith.constant 78 : i32
    %mul3A_3 = arith.muli %add3A, %mul3A_2 : i32
    %min3A = arith.constant 4 : i32
    %min3A_4 = arith.minsi %add3A, %min3A : i32
    %add3A_5 = arith.addi %mul3A_3, %min3A_4 : i32
    %add3A_6 = arith.constant 78 : i32
    %add3A_7 = arith.addi %add3A_6, %convert_element_type3A : i32
    %broadcast_in_dim3A = arith.constant 1.000000e+00 : f32
    %broadcast_in_dim3A_8 = vector.broadcast %broadcast_in_dim3A : f32 to vector<16xf32>
    %broadcast_in_dim3A_9 = arith.constant 0.000000e+00 : f32
    %broadcast_in_dim3A_10 = vector.broadcast %broadcast_in_dim3A_9 : f32 to vector<16xf32>
    %swap3A = arith.constant 0 : index
    %swap3A_11 = tpu.vector_load %arg5[%swap3A] {strides = array<i32>} : memref<128xf32, #tpu.memory_space<vmem>>, vector<16xf32>,
    %swap3A_12 = vector.shape_cast %swap3A_11 : vector<16xf32> to vector<16xf32>
    %swap3A_13 = vector.shape_cast %broadcast_in_dim3A_8 : vector<16xf32> to vector<16xf32>
    tpu.vector_store %arg5[%swap3A], %swap3A_13 {strides = array<i32>} : memref<128xf32, #tpu.memory_space<vmem>>, vector<16xf32>,
    %swap3A_14 = arith.constant 0 : index
    %swap3A_15 = tpu.vector_load %arg6[%swap3A_14] {strides = array<i32>} : memref<128xf32, #tpu.memory_space<vmem>>, vector<16xf32>,
    %swap3A_16 = vector.shape_cast %swap3A_15 : vector<16xf32> to vector<16xf32>
    %swap3A_17 = vector.shape_cast %broadcast_in_dim3A_10 : vector<16xf32> to vector<16xf32>
    tpu.vector_store %arg6[%swap3A_14], %swap3A_17 {strides = array<i32>} : memref<128xf32, #tpu.memory_space<vmem>>, vector<16xf32>,
    %swap3A_18 = arith.constant 16 : index
    %swap3A_19 = tpu.vector_load %arg5[%swap3A_18] {strides = array<i32>} : memref<128xf32, #tpu.memory_space<vmem>>, vector<16xf32>,
    %swap3A_20 = vector.shape_cast %swap3A_19 : vector<16xf32> to vector<16xf32>
    %swap3A_21 = vector.shape_cast %broadcast_in_dim3A_8 : vector<16xf32> to vector<16xf32>
    tpu.vector_store %arg5[%swap3A_18], %swap3A_21 {strides = array<i32>} : memref<128xf32, #tpu.memory_space<vmem>>, vector<16xf32>,
    %swap3A_22 = arith.constant 16 : index
    %swap3A_23 = tpu.vector_load %arg6[%swap3A_22] {strides = array<i32>} : memref<128xf32, #tpu.memory_space<vmem>>, vector<16xf32>,
    %swap3A_24 = vector.shape_cast %swap3A_23 : vector<16xf32> to vector<16xf32>
    %swap3A_25 = vector.shape_cast %broadcast_in_dim3A_10 : vector<16xf32> to vector<16xf32>
    tpu.vector_store %arg6[%swap3A_22], %swap3A_25 {strides = array<i32>} : memref<128xf32, #tpu.memory_space<vmem>>, vector<16xf32>,
    %swap3A_26 = arith.constant 32 : index
    %swap3A_27 = tpu.vector_load %arg5[%swap3A_26] {strides = array<i32>} : memref<128xf32, #tpu.memory_space<vmem>>, vector<16xf32>,
    %swap3A_28 = vector.shape_cast %swap3A_27 : vector<16xf32> to vector<16xf32>
    %swap3A_29 = vector.shape_cast %broadcast_in_dim3A_8 : vector<16xf32> to vector<16xf32>
    tpu.vector_store %arg5[%swap3A_26], %swap3A_29 {strides = array<i32>} : memref<128xf32, #tpu.memory_space<vmem>>, vector<16xf32>,
    %swap3A_30 = arith.constant 32 : index
    %swap3A_31 = tpu.vector_load %arg6[%swap3A_30] {strides = array<i32>} : memref<128xf32, #tpu.memory_space<vmem>>, vector<16xf32>,
    %swap3A_32 = vector.shape_cast %swap3A_31 : vector<16xf32> to vector<16xf32>
    %swap3A_33 = vector.shape_cast %broadcast_in_dim3A_10 : vector<16xf32> to vector<16xf32>
    tpu.vector_store %arg6[%swap3A_30], %swap3A_33 {strides = array<i32>} : memref<128xf32, #tpu.memory_space<vmem>>, vector<16xf32>,
    %swap3A_34 = arith.constant 48 : index
    %swap3A_35 = tpu.vector_load %arg5[%swap3A_34] {strides = array<i32>} : memref<128xf32, #tpu.memory_space<vmem>>, vector<16xf32>,
    %swap3A_36 = vector.shape_cast %swap3A_35 : vector<16xf32> to vector<16xf32>
    %swap3A_37 = vector.shape_cast %broadcast_in_dim3A_8 : vector<16xf32> to vector<16xf32>
    tpu.vector_store %arg5[%swap3A_34], %swap3A_37 {strides = array<i32>} : memref<128xf32, #tpu.memory_space<vmem>>, vector<16xf32>,
    %swap3A_38 = arith.constant 48 : index
    %swap3A_39 = tpu.vector_load %arg6[%swap3A_38] {strides = array<i32>} : memref<128xf32, #tpu.memory_space<vmem>>, vector<16xf32>,
    %swap3A_40 = vector.shape_cast %swap3A_39 : vector<16xf32> to vector<16xf32>
    %swap3A_41 = vector.shape_cast %broadcast_in_dim3A_10 : vector<16xf32> to vector<16xf32>
    tpu.vector_store %arg6[%swap3A_38], %swap3A_41 {strides = array<i32>} : memref<128xf32, #tpu.memory_space<vmem>>, vector<16xf32>,
    %swap3A_42 = arith.constant 64 : index
    %swap3A_43 = tpu.vector_load %arg5[%swap3A_42] {strides = array<i32>} : memref<128xf32, #tpu.memory_space<vmem>>, vector<16xf32>,
    %swap3A_44 = vector.shape_cast %swap3A_43 : vector<16xf32> to vector<16xf32>
    %swap3A_45 = vector.shape_cast %broadcast_in_dim3A_8 : vector<16xf32> to vector<16xf32>
    tpu.vector_store %arg5[%swap3A_42], %swap3A_45 {strides = array<i32>} : memref<128xf32, #tpu.memory_space<vmem>>, vector<16xf32>,
    %swap3A_46 = arith.constant 64 : index
    %swap3A_47 = tpu.vector_load %arg6[%swap3A_46] {strides = array<i32>} : memref<128xf32, #tpu.memory_space<vmem>>, vector<16xf32>,
    %swap3A_48 = vector.shape_cast %swap3A_47 : vector<16xf32> to vector<16xf32>
    %swap3A_49 = vector.shape_cast %broadcast_in_dim3A_10 : vector<16xf32> to vector<16xf32>
    tpu.vector_store %arg6[%swap3A_46], %swap3A_49 {strides = array<i32>} : memref<128xf32, #tpu.memory_space<vmem>>, vector<16xf32>,
    %swap3A_50 = arith.constant 80 : index
    %swap3A_51 = tpu.vector_load %arg5[%swap3A_50] {strides = array<i32>} : memref<128xf32, #tpu.memory_space<vmem>>, vector<16xf32>,
    %swap3A_52 = vector.shape_cast %swap3A_51 : vector<16xf32> to vector<16xf32>
    %swap3A_53 = vector.shape_cast %broadcast_in_dim3A_8 : vector<16xf32> to vector<16xf32>
    tpu.vector_store %arg5[%swap3A_50], %swap3A_53 {strides = array<i32>} : memref<128xf32, #tpu.memory_space<vmem>>, vector<16xf32>,
    %swap3A_54 = arith.constant 80 : index
    %swap3A_55 = tpu.vector_load %arg6[%swap3A_54] {strides = array<i32>} : memref<128xf32, #tpu.memory_space<vmem>>, vector<16xf32>,
    %swap3A_56 = vector.shape_cast %swap3A_55 : vector<16xf32> to vector<16xf32>
    %swap3A_57 = vector.shape_cast %broadcast_in_dim3A_10 : vector<16xf32> to vector<16xf32>
    tpu.vector_store %arg6[%swap3A_54], %swap3A_57 {strides = array<i32>} : memref<128xf32, #tpu.memory_space<vmem>>, vector<16xf32>,
    %swap3A_58 = arith.constant 96 : index
    %swap3A_59 = tpu.vector_load %arg5[%swap3A_58] {strides = array<i32>} : memref<128xf32, #tpu.memory_space<vmem>>, vector<16xf32>,
    %swap3A_60 = vector.shape_cast %swap3A_59 : vector<16xf32> to vector<16xf32>
    %swap3A_61 = vector.shape_cast %broadcast_in_dim3A_8 : vector<16xf32> to vector<16xf32>
    tpu.vector_store %arg5[%swap3A_58], %swap3A_61 {strides = array<i32>} : memref<128xf32, #tpu.memory_space<vmem>>, vector<16xf32>,
    %swap3A_62 = arith.constant 96 : index
    %swap3A_63 = tpu.vector_load %arg6[%swap3A_62] {strides = array<i32>} : memref<128xf32, #tpu.memory_space<vmem>>, vector<16xf32>,
    %swap3A_64 = vector.shape_cast %swap3A_63 : vector<16xf32> to vector<16xf32>
    %swap3A_65 = vector.shape_cast %broadcast_in_dim3A_10 : vector<16xf32> to vector<16xf32>
    tpu.vector_store %arg6[%swap3A_62], %swap3A_65 {strides = array<i32>} : memref<128xf32, #tpu.memory_space<vmem>>, vector<16xf32>,
    %swap3A_66 = arith.constant 112 : index
    %swap3A_67 = tpu.vector_load %arg5[%swap3A_66] {strides = array<i32>} : memref<128xf32, #tpu.memory_space<vmem>>, vector<16xf32>,
    %swap3A_68 = vector.shape_cast %swap3A_67 : vector<16xf32> to vector<16xf32>
    %swap3A_69 = vector.shape_cast %broadcast_in_dim3A_8 : vector<16xf32> to vector<16xf32>
    tpu.vector_store %arg5[%swap3A_66], %swap3A_69 {strides = array<i32>} : memref<128xf32, #tpu.memory_space<vmem>>, vector<16xf32>,
    %swap3A_70 = arith.constant 112 : index
    %swap3A_71 = tpu.vector_load %arg6[%swap3A_70] {strides = array<i32>} : memref<128xf32, #tpu.memory_space<vmem>>, vector<16xf32>,
    %swap3A_72 = vector.shape_cast %swap3A_71 : vector<16xf32> to vector<16xf32>
    %swap3A_73 = vector.shape_cast %broadcast_in_dim3A_10 : vector<16xf32> to vector<16xf32>
    tpu.vector_store %arg6[%swap3A_70], %swap3A_73 {strides = array<i32>} : memref<128xf32, #tpu.memory_space<vmem>>, vector<16xf32>,
    %mul3A_74 = arith.constant 640 : i32
    %mul3A_75 = arith.muli %arg1, %mul3A_74 : i32
    %add3A_76 = arith.constant 0 : i32
    %add3A_77 = arith.addi %mul3A_75, %add3A_76 : i32
    "tpu.region"() ({
      %run_scoped3A = tpu.sem_alloc : memref<!tpu.dma_semaphore, #tpu.memory_space<semaphore_mem>>
      %dma_start3A = tpu.memref_slice %arg7[%add3A_77] : memref<10240xf32, #tpu.memory_space<vmem_shared>> -> memref<128xf32, #tpu.memory_space<vmem_shared>>
      %dma_start3A_113 = tpu.memref_slice %arg7[%add3A_77] : memref<10240xf32, #tpu.memory_space<vmem_shared>> -> memref<128xf32, #tpu.memory_space<vmem_shared>>
      tpu.enqueue_dma source(%arg6 : memref<128xf32, #tpu.memory_space<vmem>>) target(%dma_start3A_113 : memref<128xf32, #tpu.memory_space<vmem_shared>>) target_semaphore(%run_scoped3A : memref<!tpu.dma_semaphore, #tpu.memory_space<semaphore_mem>>)
      %dma_wait3A = tpu.memref_slice %arg7[%add3A_77] : memref<10240xf32, #tpu.memory_space<vmem_shared>> -> memref<128xf32, #tpu.memory_space<vmem_shared>>
      %dma_wait3A_114 = tpu.memref_slice %arg7[%add3A_77] : memref<10240xf32, #tpu.memory_space<vmem_shared>> -> memref<128xf32, #tpu.memory_space<vmem_shared>>
      tpu.wait_dma2 semaphore(%run_scoped3A : memref<!tpu.dma_semaphore, #tpu.memory_space<semaphore_mem>>) src(%arg6 : memref<128xf32, #tpu.memory_space<vmem>>) dst(%dma_wait3A_114 : memref<128xf32, #tpu.memory_space<vmem_shared>>)
      tpu.yield
    }) : () -> ()
    %add3A_78 = arith.constant 128 : i32
    %add3A_79 = arith.addi %mul3A_75, %add3A_78 : i32
    "tpu.region"() ({
      %run_scoped3A = tpu.sem_alloc : memref<!tpu.dma_semaphore, #tpu.memory_space<semaphore_mem>>
      %dma_start3A = tpu.memref_slice %arg7[%add3A_79] : memref<10240xf32, #tpu.memory_space<vmem_shared>> -> memref<128xf32, #tpu.memory_space<vmem_shared>>
      %dma_start3A_113 = tpu.memref_slice %arg7[%add3A_79] : memref<10240xf32, #tpu.memory_space<vmem_shared>> -> memref<128xf32, #tpu.memory_space<vmem_shared>>
      tpu.enqueue_dma source(%arg6 : memref<128xf32, #tpu.memory_space<vmem>>) target(%dma_start3A_113 : memref<128xf32, #tpu.memory_space<vmem_shared>>) target_semaphore(%run_scoped3A : memref<!tpu.dma_semaphore, #tpu.memory_space<semaphore_mem>>)
      %dma_wait3A = tpu.memref_slice %arg7[%add3A_79] : memref<10240xf32, #tpu.memory_space<vmem_shared>> -> memref<128xf32, #tpu.memory_space<vmem_shared>>
      %dma_wait3A_114 = tpu.memref_slice %arg7[%add3A_79] : memref<10240xf32, #tpu.memory_space<vmem_shared>> -> memref<128xf32, #tpu.memory_space<vmem_shared>>
      tpu.wait_dma2 semaphore(%run_scoped3A : memref<!tpu.dma_semaphore, #tpu.memory_space<semaphore_mem>>) src(%arg6 : memref<128xf32, #tpu.memory_space<vmem>>) dst(%dma_wait3A_114 : memref<128xf32, #tpu.memory_space<vmem_shared>>)
      tpu.yield
    }) : () -> ()
    %add3A_80 = arith.constant 256 : i32
    %add3A_81 = arith.addi %mul3A_75, %add3A_80 : i32
    "tpu.region"() ({
      %run_scoped3A = tpu.sem_alloc : memref<!tpu.dma_semaphore, #tpu.memory_space<semaphore_mem>>
      %dma_start3A = tpu.memref_slice %arg7[%add3A_81] : memref<10240xf32, #tpu.memory_space<vmem_shared>> -> memref<128xf32, #tpu.memory_space<vmem_shared>>
      %dma_start3A_113 = tpu.memref_slice %arg7[%add3A_81] : memref<10240xf32, #tpu.memory_space<vmem_shared>> -> memref<128xf32, #tpu.memory_space<vmem_shared>>
      tpu.enqueue_dma source(%arg6 : memref<128xf32, #tpu.memory_space<vmem>>) target(%dma_start3A_113 : memref<128xf32, #tpu.memory_space<vmem_shared>>) target_semaphore(%run_scoped3A : memref<!tpu.dma_semaphore, #tpu.memory_space<semaphore_mem>>)
      %dma_wait3A = tpu.memref_slice %arg7[%add3A_81] : memref<10240xf32, #tpu.memory_space<vmem_shared>> -> memref<128xf32, #tpu.memory_space<vmem_shared>>
      %dma_wait3A_114 = tpu.memref_slice %arg7[%add3A_81] : memref<10240xf32, #tpu.memory_space<vmem_shared>> -> memref<128xf32, #tpu.memory_space<vmem_shared>>
      tpu.wait_dma2 semaphore(%run_scoped3A : memref<!tpu.dma_semaphore, #tpu.memory_space<semaphore_mem>>) src(%arg6 : memref<128xf32, #tpu.memory_space<vmem>>) dst(%dma_wait3A_114 : memref<128xf32, #tpu.memory_space<vmem_shared>>)
      tpu.yield
    }) : () -> ()
    %add3A_82 = arith.constant 384 : i32
    %add3A_83 = arith.addi %mul3A_75, %add3A_82 : i32
    "tpu.region"() ({
      %run_scoped3A = tpu.sem_alloc : memref<!tpu.dma_semaphore, #tpu.memory_space<semaphore_mem>>
      %dma_start3A = tpu.memref_slice %arg7[%add3A_83] : memref<10240xf32, #tpu.memory_space<vmem_shared>> -> memref<128xf32, #tpu.memory_space<vmem_shared>>
      %dma_start3A_113 = tpu.memref_slice %arg7[%add3A_83] : memref<10240xf32, #tpu.memory_space<vmem_shared>> -> memref<128xf32, #tpu.memory_space<vmem_shared>>
      tpu.enqueue_dma source(%arg6 : memref<128xf32, #tpu.memory_space<vmem>>) target(%dma_start3A_113 : memref<128xf32, #tpu.memory_space<vmem_shared>>) target_semaphore(%run_scoped3A : memref<!tpu.dma_semaphore, #tpu.memory_space<semaphore_mem>>)
      %dma_wait3A = tpu.memref_slice %arg7[%add3A_83] : memref<10240xf32, #tpu.memory_space<vmem_shared>> -> memref<128xf32, #tpu.memory_space<vmem_shared>>
      %dma_wait3A_114 = tpu.memref_slice %arg7[%add3A_83] : memref<10240xf32, #tpu.memory_space<vmem_shared>> -> memref<128xf32, #tpu.memory_space<vmem_shared>>
      tpu.wait_dma2 semaphore(%run_scoped3A : memref<!tpu.dma_semaphore, #tpu.memory_space<semaphore_mem>>) src(%arg6 : memref<128xf32, #tpu.memory_space<vmem>>) dst(%dma_wait3A_114 : memref<128xf32, #tpu.memory_space<vmem_shared>>)
      tpu.yield
    }) : () -> ()
    %add3A_84 = arith.constant 512 : i32
    %add3A_85 = arith.addi %mul3A_75, %add3A_84 : i32
    "tpu.region"() ({
      %run_scoped3A = tpu.sem_alloc : memref<!tpu.dma_semaphore, #tpu.memory_space<semaphore_mem>>
      %dma_start3A = tpu.memref_slice %arg7[%add3A_85] : memref<10240xf32, #tpu.memory_space<vmem_shared>> -> memref<128xf32, #tpu.memory_space<vmem_shared>>
      %dma_start3A_113 = tpu.memref_slice %arg7[%add3A_85] : memref<10240xf32, #tpu.memory_space<vmem_shared>> -> memref<128xf32, #tpu.memory_space<vmem_shared>>
      tpu.enqueue_dma source(%arg6 : memref<128xf32, #tpu.memory_space<vmem>>) target(%dma_start3A_113 : memref<128xf32, #tpu.memory_space<vmem_shared>>) target_semaphore(%run_scoped3A : memref<!tpu.dma_semaphore, #tpu.memory_space<semaphore_mem>>)
      %dma_wait3A = tpu.memref_slice %arg7[%add3A_85] : memref<10240xf32, #tpu.memory_space<vmem_shared>> -> memref<128xf32, #tpu.memory_space<vmem_shared>>
      %dma_wait3A_114 = tpu.memref_slice %arg7[%add3A_85] : memref<10240xf32, #tpu.memory_space<vmem_shared>> -> memref<128xf32, #tpu.memory_space<vmem_shared>>
      tpu.wait_dma2 semaphore(%run_scoped3A : memref<!tpu.dma_semaphore, #tpu.memory_space<semaphore_mem>>) src(%arg6 : memref<128xf32, #tpu.memory_space<vmem>>) dst(%dma_wait3A_114 : memref<128xf32, #tpu.memory_space<vmem_shared>>)
      tpu.yield
    }) : () -> ()
    %mul3A_86 = arith.constant 128 : i32
    %mul3A_87 = arith.muli %add3A_5, %mul3A_86 : i32
    %lt3A_88 = arith.constant 4 : i32
    %lt3A_89 = arith.cmpi slt, %add3A, %lt3A_88 : i32
    %convert_element_type3A_90 = arith.extui %lt3A_89 : i1 to i32
    %cond3A = arith.constant 0 : i32
    %cond3A_91 = arith.cmpi ne, %convert_element_type3A_90, %cond3A : i32
    scf.if %cond3A_91 {
      %run_scoped3A = arith.constant 1 : i32
      "tpu.region"() ({
        %run_scoped3A_113 = tpu.sem_alloc : memref<!tpu.dma_semaphore, #tpu.memory_space<semaphore_mem>>
        %dma_start3A = tpu.memref_slice %arg2[%run_scoped3A, %mul3A_87] : memref<2x320000xi32, #tpu.memory_space<hbm>> -> memref<1x10112xi32, #tpu.memory_space<hbm>>
        %dma_start3A_114 = tpu.memref_squeeze %dma_start3A : memref<1x10112xi32, #tpu.memory_space<hbm>> -> memref<10112xi32, #tpu.memory_space<hbm>>
        %dma_start3A_115 = tpu.memref_slice %arg2[%run_scoped3A, %mul3A_87] : memref<2x320000xi32, #tpu.memory_space<hbm>> -> memref<1x10112xi32, #tpu.memory_space<hbm>>
        %dma_start3A_116 = tpu.memref_squeeze %dma_start3A_115 : memref<1x10112xi32, #tpu.memory_space<hbm>> -> memref<10112xi32, #tpu.memory_space<hbm>>
        tpu.enqueue_dma source(%dma_start3A_116 : memref<10112xi32, #tpu.memory_space<hbm>>) target(%arg4 : memref<10112xi32, #tpu.memory_space<vmem>>) target_semaphore(%run_scoped3A_113 : memref<!tpu.dma_semaphore, #tpu.memory_space<semaphore_mem>>)
        %dma_wait3A = tpu.memref_slice %arg2[%run_scoped3A, %mul3A_87] : memref<2x320000xi32, #tpu.memory_space<hbm>> -> memref<1x10112xi32, #tpu.memory_space<hbm>>
        %dma_wait3A_117 = tpu.memref_squeeze %dma_wait3A : memref<1x10112xi32, #tpu.memory_space<hbm>> -> memref<10112xi32, #tpu.memory_space<hbm>>
        %dma_wait3A_118 = tpu.memref_slice %arg2[%run_scoped3A, %mul3A_87] : memref<2x320000xi32, #tpu.memory_space<hbm>> -> memref<1x10112xi32, #tpu.memory_space<hbm>>
        %dma_wait3A_119 = tpu.memref_squeeze %dma_wait3A_118 : memref<1x10112xi32, #tpu.memory_space<hbm>> -> memref<10112xi32, #tpu.memory_space<hbm>>
        tpu.wait_dma2 semaphore(%run_scoped3A_113 : memref<!tpu.dma_semaphore, #tpu.memory_space<semaphore_mem>>) src(%dma_wait3A_119 : memref<10112xi32, #tpu.memory_space<hbm>>) dst(%arg4 : memref<10112xi32, #tpu.memory_space<vmem>>)
        tpu.yield
      }) : () -> ()
    } else {
    }
    %ge3A = arith.constant 4 : i32
    %ge3A_92 = arith.cmpi sge, %add3A, %ge3A : i32
    %convert_element_type3A_93 = arith.extui %ge3A_92 : i1 to i32
    %cond3A_94 = arith.constant 0 : i32
    %cond3A_95 = arith.cmpi ne, %convert_element_type3A_93, %cond3A_94 : i32
    scf.if %cond3A_95 {
      %run_scoped3A = arith.constant 1 : i32
      "tpu.region"() ({
        %run_scoped3A_113 = tpu.sem_alloc : memref<!tpu.dma_semaphore, #tpu.memory_space<semaphore_mem>>
        %dma_start3A = arith.constant 0 : i32
        %dma_start3A_114 = tpu.memref_slice %arg4[%dma_start3A] : memref<10112xi32, #tpu.memory_space<vmem>> -> memref<9984xi32, #tpu.memory_space<vmem>>
        %dma_start3A_115 = tpu.memref_slice %arg2[%run_scoped3A, %mul3A_87] : memref<2x320000xi32, #tpu.memory_space<hbm>> -> memref<1x9984xi32, #tpu.memory_space<hbm>>
        %dma_start3A_116 = tpu.memref_squeeze %dma_start3A_115 : memref<1x9984xi32, #tpu.memory_space<hbm>> -> memref<9984xi32, #tpu.memory_space<hbm>>
        %dma_start3A_117 = arith.constant 0 : i32
        %dma_start3A_118 = tpu.memref_slice %arg4[%dma_start3A_117] : memref<10112xi32, #tpu.memory_space<vmem>> -> memref<9984xi32, #tpu.memory_space<vmem>>
        %dma_start3A_119 = tpu.memref_slice %arg2[%run_scoped3A, %mul3A_87] : memref<2x320000xi32, #tpu.memory_space<hbm>> -> memref<1x9984xi32, #tpu.memory_space<hbm>>
        %dma_start3A_120 = tpu.memref_squeeze %dma_start3A_119 : memref<1x9984xi32, #tpu.memory_space<hbm>> -> memref<9984xi32, #tpu.memory_space<hbm>>
        tpu.enqueue_dma source(%dma_start3A_120 : memref<9984xi32, #tpu.memory_space<hbm>>) target(%dma_start3A_118 : memref<9984xi32, #tpu.memory_space<vmem>>) target_semaphore(%run_scoped3A_113 : memref<!tpu.dma_semaphore, #tpu.memory_space<semaphore_mem>>)
        %dma_wait3A = arith.constant 0 : i32
        %dma_wait3A_121 = tpu.memref_slice %arg4[%dma_wait3A] : memref<10112xi32, #tpu.memory_space<vmem>> -> memref<9984xi32, #tpu.memory_space<vmem>>
        %dma_wait3A_122 = tpu.memref_slice %arg2[%run_scoped3A, %mul3A_87] : memref<2x320000xi32, #tpu.memory_space<hbm>> -> memref<1x9984xi32, #tpu.memory_space<hbm>>
        %dma_wait3A_123 = tpu.memref_squeeze %dma_wait3A_122 : memref<1x9984xi32, #tpu.memory_space<hbm>> -> memref<9984xi32, #tpu.memory_space<hbm>>
        %dma_wait3A_124 = arith.constant 0 : i32
        %dma_wait3A_125 = tpu.memref_slice %arg4[%dma_wait3A_124] : memref<10112xi32, #tpu.memory_space<vmem>> -> memref<9984xi32, #tpu.memory_space<vmem>>
        %dma_wait3A_126 = tpu.memref_slice %arg2[%run_scoped3A, %mul3A_87] : memref<2x320000xi32, #tpu.memory_space<hbm>> -> memref<1x9984xi32, #tpu.memory_space<hbm>>
        %dma_wait3A_127 = tpu.memref_squeeze %dma_wait3A_126 : memref<1x9984xi32, #tpu.memory_space<hbm>> -> memref<9984xi32, #tpu.memory_space<hbm>>
        tpu.wait_dma2 semaphore(%run_scoped3A_113 : memref<!tpu.dma_semaphore, #tpu.memory_space<semaphore_mem>>) src(%dma_wait3A_127 : memref<9984xi32, #tpu.memory_space<hbm>>) dst(%dma_wait3A_125 : memref<9984xi32, #tpu.memory_space<vmem>>)
        tpu.yield
      }) : () -> ()
    } else {
    }
    %barrier3A = arith.constant 0 : index
    tpu.barrier barrier_id(%barrier3A)
    %sub3A = arith.constant 0 : i32
    %sub3A_96 = arith.subi %add3A_7, %sub3A : i32
    %sub3A_97 = arith.constant 1 : i32
    %sub3A_98 = arith.constant 1 : i32
    %sub3A_99 = arith.subi %sub3A_97, %sub3A_98 : i32
    %add3A_100 = arith.addi %sub3A_96, %sub3A_99 : i32
    %div3A = arith.constant 1 : i32
    %div3A_101 = arith.divsi %add3A_100, %div3A : i32
    %while3A = arith.constant 1 : i32
    %while3A_102 = arith.constant 0 : i32
    %while3A_103 = arith.constant 0 : i32
    %while3A_104 = arith.subi %div3A_101, %while3A_103 : i32
    %while3A_105 = arith.addi %while3A_103, %while3A_104 : i32
    %while3A_106 = arith.constant 1 : i32
    %while3A_107 = arith.divsi %while3A_104, %while3A_106 : i32
    %while3A_108 = arith.muli %while3A_107, %while3A_106 : i32
    %while3A_109 = arith.addi %while3A_103, %while3A_108 : i32
    %while3A_110 = arith.constant 1 : i32
    scf.for %while3A_113 = %while3A_103 to %while3A_109 step %while3A_110  : i32 {
      %mul3A_114 = arith.muli %while3A_113, %while3A : i32
      %add3A_115 = arith.addi %while3A_102, %mul3A_114 : i32
      %mul3A_116 = arith.constant 128 : i32
      %mul3A_117 = arith.muli %add3A_115, %mul3A_116 : i32
      "tpu.region"() ({
        %run_scoped3A = tpu.sem_alloc : memref<!tpu.dma_semaphore, #tpu.memory_space<semaphore_mem>>
        %dma_start3A = tpu.memref_slice %arg4[%mul3A_117] : memref<10112xi32, #tpu.memory_space<vmem>> -> memref<128xi32, #tpu.memory_space<vmem>>
        %dma_start3A_118 = arith.constant 0 : i32
        %dma_start3A_119 = tpu.memref_slice %arg7[%dma_start3A_118] : memref<10240xf32, #tpu.memory_space<vmem_shared>> -> memref<10240xf32, #tpu.memory_space<vmem_shared>>
        tpu.enqueue_indirect_dma source(%arg5 : memref<128xf32, #tpu.memory_space<vmem>>) target(%dma_start3A_119 : memref<10240xf32, #tpu.memory_space<vmem_shared>>) offsets(%dma_start3A : memref<128xi32, #tpu.memory_space<vmem>>) semaphore(%run_scoped3A : memref<!tpu.dma_semaphore, #tpu.memory_space<semaphore_mem>>) {add = true}
        %dma_wait3A = tpu.memref_slice %arg4[%mul3A_117] : memref<10112xi32, #tpu.memory_space<vmem>> -> memref<128xi32, #tpu.memory_space<vmem>>
        %dma_wait3A_120 = arith.constant 0 : i32
        %dma_wait3A_121 = tpu.memref_slice %arg7[%dma_wait3A_120] : memref<10240xf32, #tpu.memory_space<vmem_shared>> -> memref<10240xf32, #tpu.memory_space<vmem_shared>>
        tpu.wait_indirect_dma semaphore(%run_scoped3A : memref<!tpu.dma_semaphore, #tpu.memory_space<semaphore_mem>>) src(%arg5 : memref<128xf32, #tpu.memory_space<vmem>>) dst(%dma_wait3A_121 : memref<10240xf32, #tpu.memory_space<vmem_shared>>)
        tpu.yield
      }) : () -> ()
    }
    %while3A_111 = arith.constant 1 : i32
    scf.for %while3A_113 = %while3A_109 to %while3A_105 step %while3A_111  : i32 {
      %mul3A_114 = arith.muli %while3A_113, %while3A : i32
      %add3A_115 = arith.addi %while3A_102, %mul3A_114 : i32
      %mul3A_116 = arith.constant 128 : i32
      %mul3A_117 = arith.muli %add3A_115, %mul3A_116 : i32
      "tpu.region"() ({
        %run_scoped3A = tpu.sem_alloc : memref<!tpu.dma_semaphore, #tpu.memory_space<semaphore_mem>>
        %dma_start3A = tpu.memref_slice %arg4[%mul3A_117] : memref<10112xi32, #tpu.memory_space<vmem>> -> memref<128xi32, #tpu.memory_space<vmem>>
        %dma_start3A_118 = arith.constant 0 : i32
        %dma_start3A_119 = tpu.memref_slice %arg7[%dma_start3A_118] : memref<10240xf32, #tpu.memory_space<vmem_shared>> -> memref<10240xf32, #tpu.memory_space<vmem_shared>>
        tpu.enqueue_indirect_dma source(%arg5 : memref<128xf32, #tpu.memory_space<vmem>>) target(%dma_start3A_119 : memref<10240xf32, #tpu.memory_space<vmem_shared>>) offsets(%dma_start3A : memref<128xi32, #tpu.memory_space<vmem>>) semaphore(%run_scoped3A : memref<!tpu.dma_semaphore, #tpu.memory_space<semaphore_mem>>) {add = true}
        %dma_wait3A = tpu.memref_slice %arg4[%mul3A_117] : memref<10112xi32, #tpu.memory_space<vmem>> -> memref<128xi32, #tpu.memory_space<vmem>>
        %dma_wait3A_120 = arith.constant 0 : i32
        %dma_wait3A_121 = tpu.memref_slice %arg7[%dma_wait3A_120] : memref<10240xf32, #tpu.memory_space<vmem_shared>> -> memref<10240xf32, #tpu.memory_space<vmem_shared>>
        tpu.wait_indirect_dma semaphore(%run_scoped3A : memref<!tpu.dma_semaphore, #tpu.memory_space<semaphore_mem>>) src(%arg5 : memref<128xf32, #tpu.memory_space<vmem>>) dst(%dma_wait3A_121 : memref<10240xf32, #tpu.memory_space<vmem_shared>>)
        tpu.yield
      }) : () -> ()
    }
    %barrier3A_112 = arith.constant 0 : index
    tpu.barrier barrier_id(%barrier3A_112)
    "tpu.region"() ({
      %run_scoped3A = tpu.sem_alloc : memref<!tpu.dma_semaphore, #tpu.memory_space<semaphore_mem>>
      %dma_start3A = tpu.memref_slice %arg3[%arg0, %mul3A_75] : memref<2x10240xf32, #tpu.memory_space<hbm>> -> memref<1x640xf32, #tpu.memory_space<hbm>>
      %dma_start3A_113 = tpu.memref_squeeze %dma_start3A : memref<1x640xf32, #tpu.memory_space<hbm>> -> memref<640xf32, #tpu.memory_space<hbm>>
      %dma_start3A_114 = tpu.memref_slice %arg7[%mul3A_75] : memref<10240xf32, #tpu.memory_space<vmem_shared>> -> memref<640xf32, #tpu.memory_space<vmem_shared>>
      tpu.enqueue_dma source(%dma_start3A_114 : memref<640xf32, #tpu.memory_space<vmem_shared>>) target(%dma_start3A_113 : memref<640xf32, #tpu.memory_space<hbm>>) target_semaphore(%run_scoped3A : memref<!tpu.dma_semaphore, #tpu.memory_space<semaphore_mem>>)
      %dma_wait3A = tpu.memref_slice %arg3[%arg0, %mul3A_75] : memref<2x10240xf32, #tpu.memory_space<hbm>> -> memref<1x640xf32, #tpu.memory_space<hbm>>
      %dma_wait3A_115 = tpu.memref_squeeze %dma_wait3A : memref<1x640xf32, #tpu.memory_space<hbm>> -> memref<640xf32, #tpu.memory_space<hbm>>
      %dma_wait3A_116 = tpu.memref_slice %arg7[%mul3A_75] : memref<10240xf32, #tpu.memory_space<vmem_shared>> -> memref<640xf32, #tpu.memory_space<vmem_shared>>
      tpu.wait_dma2 semaphore(%run_scoped3A : memref<!tpu.dma_semaphore, #tpu.memory_space<semaphore_mem>>) src(%dma_wait3A_116 : memref<640xf32, #tpu.memory_space<vmem_shared>>) dst(%dma_wait3A_115 : memref<640xf32, #tpu.memory_space<hbm>>)
      tpu.yield
    }) : () -> ()
    return
  }
}

module attributes {stable_mosaic.version = 14 : i64} {
  func.func @_scale_body(%arg0: i32, %arg1: memref<2x1024xf32, #tpu.memory_space<vmem>>, %arg2: memref<1024x128xf32, #tpu.memory_space<vmem>>, %arg3: memref<1024x128xf32, #tpu.memory_space<vmem>>) attributes {dimension_semantics = [#tpu.dimension_semantics<arbitrary>], iteration_bounds = array<i64: 10>, scalar_prefetch = 0 : i64, scratch_operands = 0 : i64, tpu.core_type = #tpu.core_type<tc>, window_params = [{transform_indices = @transform_0, window_bounds = array<i64: 2, 1024>}, {transform_indices = @transform_1, window_bounds = array<i64: 1024, 128>}, {transform_indices = @transform_2, window_bounds = array<i64: 1024, 128>}]} {
    %get3A = arith.constant 0 : index
    %get3A_0 = arith.constant 0 : index
    %get3A_1 = vector.load %arg1[%get3A, %get3A_0] : memref<2x1024xf32, #tpu.memory_space<vmem>>, vector<1x1024xf32>
    %get3A_2 = vector.shape_cast %get3A_1 : vector<1x1024xf32> to vector<1024xf32>
    %get3A_3 = arith.constant 1 : index
    %get3A_4 = arith.constant 0 : index
    %get3A_5 = vector.load %arg1[%get3A_3, %get3A_4] : memref<2x1024xf32, #tpu.memory_space<vmem>>, vector<1x1024xf32>
    %get3A_6 = vector.shape_cast %get3A_5 : vector<1x1024xf32> to vector<1024xf32>
    %add3A = arith.addf %get3A_2, %get3A_6 : vector<1024xf32>
    %add3A_7 = arith.constant 1.000000e+00 : f32
    %add3A_8 = vector.broadcast %add3A_7 : f32 to vector<1024xf32>
    %add3A_9 = arith.addf %add3A, %add3A_8 : vector<1024xf32>
    %rsqrt3A = math.rsqrt %add3A_9 : vector<1024xf32>
    %get3A_10 = arith.constant 0 : index
    %get3A_11 = arith.constant 0 : index
    %get3A_12 = vector.load %arg2[%get3A_10, %get3A_11] : memref<1024x128xf32, #tpu.memory_space<vmem>>, vector<1024x128xf32>
    %broadcast_in_dim3A = vector.shape_cast %rsqrt3A : vector<1024xf32> to vector<1024x1xf32>
    %mul3A = vector.broadcast %broadcast_in_dim3A : vector<1024x1xf32> to vector<1024x128xf32>
    %mul3A_13 = arith.mulf %get3A_12, %mul3A : vector<1024x128xf32>
    %swap3A = arith.constant 0 : index
    %swap3A_14 = arith.constant 0 : index
    %swap3A_15 = vector.load %arg3[%swap3A, %swap3A_14] : memref<1024x128xf32, #tpu.memory_space<vmem>>, vector<1024x128xf32>
    tpu.vector_store %arg3[%swap3A, %swap3A_14], %mul3A_13 {strides = array<i32>} : memref<1024x128xf32, #tpu.memory_space<vmem>>, vector<1024x128xf32>,
    return
  }
  func.func @transform_0(%arg0: i32) -> (i32, i32) {
    %c0_i32 = arith.constant 0 : i32
    %c0_i32_0 = arith.constant 0 : i32
    return %c0_i32, %arg0 : i32, i32
  }
  func.func @transform_1(%arg0: i32) -> (i32, i32) {
    %c0_i32 = arith.constant 0 : i32
    %c0_i32_0 = arith.constant 0 : i32
    return %arg0, %c0_i32 : i32, i32
  }
  func.func @transform_2(%arg0: i32) -> (i32, i32) {
    %c0_i32 = arith.constant 0 : i32
    %c0_i32_0 = arith.constant 0 : i32
    return %arg0, %c0_i32 : i32, i32
  }
}

module attributes {stable_mosaic.version = 14 : i64} {
  func.func @_mm_body(%arg0: i32, %arg1: memref<1024x128xf32, #tpu.memory_space<vmem>>, %arg2: memref<128x64xf32, #tpu.memory_space<vmem>>, %arg3: memref<1024x128xf32, #tpu.memory_space<vmem>>) attributes {dimension_semantics = [#tpu.dimension_semantics<arbitrary>], iteration_bounds = array<i64: 10>, scalar_prefetch = 0 : i64, scratch_operands = 0 : i64, tpu.core_type = #tpu.core_type<tc>, window_params = [{transform_indices = @transform_0, window_bounds = array<i64: 1024, 128>}, {pipeline_mode = #tpu.pipeline_mode<synchronous>, transform_indices = @transform_1, window_bounds = array<i64: 128, 64>}, {transform_indices = @transform_2, window_bounds = array<i64: 1024, 128>}]} {
    %get3A = arith.constant 0 : index
    %get3A_0 = arith.constant 0 : index
    %get3A_1 = vector.load %arg1[%get3A, %get3A_0] : memref<1024x128xf32, #tpu.memory_space<vmem>>, vector<1024x128xf32>
    %get3A_2 = arith.constant 0 : index
    %get3A_3 = arith.constant 0 : index
    %get3A_4 = vector.load %arg2[%get3A_2, %get3A_3] : memref<128x64xf32, #tpu.memory_space<vmem>>, vector<128x64xf32>
    %dot_general3A = arith.constant dense<0.000000e+00> : vector<1024x64xf32>
    %dot_general3A_5 = tpu.matmul %get3A_1, %get3A_4, %dot_general3A {dimension_numbers = #tpu.dot_dimension_numbers<[1], [0], [0], [1], [0, 0, 1, 1], [], []>, transpose_lhs_hint = false} : vector<1024x128xf32>, vector<128x64xf32>, vector<1024x64xf32> -> vector<1024x64xf32>
    %concatenate3A = tpu.concatenate %dot_general3A_5, %dot_general3A_5 in 1 : vector<1024x64xf32>, vector<1024x64xf32> -> vector<1024x128xf32>
    %swap3A = arith.constant 0 : index
    %swap3A_6 = arith.constant 0 : index
    %swap3A_7 = vector.load %arg3[%swap3A, %swap3A_6] : memref<1024x128xf32, #tpu.memory_space<vmem>>, vector<1024x128xf32>
    tpu.vector_store %arg3[%swap3A, %swap3A_6], %concatenate3A {strides = array<i32>} : memref<1024x128xf32, #tpu.memory_space<vmem>>, vector<1024x128xf32>,
    return
  }
  func.func @transform_0(%arg0: i32) -> (i32, i32) {
    %c0_i32 = arith.constant 0 : i32
    %c0_i32_0 = arith.constant 0 : i32
    return %arg0, %c0_i32 : i32, i32
  }
  func.func @transform_1(%arg0: i32) -> (i32, i32) {
    %c0_i32 = arith.constant 0 : i32
    %c0_i32_0 = arith.constant 0 : i32
    %c0_i32_1 = arith.constant 0 : i32
    return %c0_i32, %c0_i32_0 : i32, i32
  }
  func.func @transform_2(%arg0: i32) -> (i32, i32) {
    %c0_i32 = arith.constant 0 : i32
    %c0_i32_0 = arith.constant 0 : i32
    return %arg0, %c0_i32 : i32, i32
  }
}

module attributes {stable_mosaic.version = 14 : i64} {
  func.func @_fin_body(%arg0: i32, %arg1: memref<2x1024xf32, #tpu.memory_space<vmem>>, %arg2: memref<2x1024x128xf32, #tpu.memory_space<vmem>>, %arg3: memref<1024x128xf32, #tpu.memory_space<vmem>>, %arg4: memref<1x64xf32, #tpu.memory_space<vmem>>, %arg5: memref<1024x64xf32, #tpu.memory_space<vmem>>) attributes {dimension_semantics = [#tpu.dimension_semantics<arbitrary>], iteration_bounds = array<i64: 10>, scalar_prefetch = 0 : i64, scratch_operands = 0 : i64, tpu.core_type = #tpu.core_type<tc>, window_params = [{transform_indices = @transform_0, window_bounds = array<i64: 2, 1024>}, {transform_indices = @transform_1, window_bounds = array<i64: 2, 1024, 128>}, {transform_indices = @transform_2, window_bounds = array<i64: 1024, 128>}, {pipeline_mode = #tpu.pipeline_mode<synchronous>, transform_indices = @transform_3, window_bounds = array<i64: 1, 64>}, {transform_indices = @transform_4, window_bounds = array<i64: 1024, 64>}]} {
    %get3A = arith.constant 0 : index
    %get3A_0 = arith.constant 0 : index
    %get3A_1 = vector.load %arg1[%get3A, %get3A_0] : memref<2x1024xf32, #tpu.memory_space<vmem>>, vector<1x1024xf32>
    %get3A_2 = vector.shape_cast %get3A_1 : vector<1x1024xf32> to vector<1024xf32>
    %get3A_3 = arith.constant 1 : index
    %get3A_4 = arith.constant 0 : index
    %get3A_5 = vector.load %arg1[%get3A_3, %get3A_4] : memref<2x1024xf32, #tpu.memory_space<vmem>>, vector<1x1024xf32>
    %get3A_6 = vector.shape_cast %get3A_5 : vector<1x1024xf32> to vector<1024xf32>
    %add3A = arith.addf %get3A_2, %get3A_6 : vector<1024xf32>
    %add3A_7 = arith.constant 1.000000e+00 : f32
    %add3A_8 = vector.broadcast %add3A_7 : f32 to vector<1024xf32>
    %add3A_9 = arith.addf %add3A, %add3A_8 : vector<1024xf32>
    %rsqrt3A = math.rsqrt %add3A_9 : vector<1024xf32>
    %get3A_10 = arith.constant 0 : index
    %get3A_11 = arith.constant 0 : index
    %get3A_12 = arith.constant 0 : index
    %get3A_13 = vector.load %arg2[%get3A_10, %get3A_11, %get3A_12] : memref<2x1024x128xf32, #tpu.memory_space<vmem>>, vector<1x1024x64xf32>
    %get3A_14 = vector.shape_cast %get3A_13 : vector<1x1024x64xf32> to vector<1024x64xf32>
    %get3A_15 = arith.constant 1 : index
    %get3A_16 = arith.constant 0 : index
    %get3A_17 = arith.constant 0 : index
    %get3A_18 = vector.load %arg2[%get3A_15, %get3A_16, %get3A_17] : memref<2x1024x128xf32, #tpu.memory_space<vmem>>, vector<1x1024x64xf32>
    %get3A_19 = vector.shape_cast %get3A_18 : vector<1x1024x64xf32> to vector<1024x64xf32>
    %add3A_20 = arith.addf %get3A_14, %get3A_19 : vector<1024x64xf32>
    %get3A_21 = arith.constant 0 : index
    %get3A_22 = arith.constant 0 : index
    %get3A_23 = vector.load %arg3[%get3A_21, %get3A_22] : memref<1024x128xf32, #tpu.memory_space<vmem>>, vector<1024x64xf32>
    %add3A_24 = arith.addf %add3A_20, %get3A_23 : vector<1024x64xf32>
    %broadcast_in_dim3A = vector.shape_cast %rsqrt3A : vector<1024xf32> to vector<1024x1xf32>
    %mul3A = vector.broadcast %broadcast_in_dim3A : vector<1024x1xf32> to vector<1024x64xf32>
    %mul3A_25 = arith.mulf %add3A_24, %mul3A : vector<1024x64xf32>
    %get3A_26 = arith.constant 0 : index
    %get3A_27 = arith.constant 0 : index
    %get3A_28 = vector.load %arg4[%get3A_26, %get3A_27] : memref<1x64xf32, #tpu.memory_space<vmem>>, vector<1x64xf32>
    %add3A_29 = vector.broadcast %get3A_28 : vector<1x64xf32> to vector<1024x64xf32>
    %add3A_30 = arith.addf %mul3A_25, %add3A_29 : vector<1024x64xf32>
    %swap3A = arith.constant 0 : index
    %swap3A_31 = arith.constant 0 : index
    %swap3A_32 = vector.load %arg5[%swap3A, %swap3A_31] : memref<1024x64xf32, #tpu.memory_space<vmem>>, vector<1024x64xf32>
    tpu.vector_store %arg5[%swap3A, %swap3A_31], %add3A_30 {strides = array<i32>} : memref<1024x64xf32, #tpu.memory_space<vmem>>, vector<1024x64xf32>,
    return
  }
  func.func @transform_0(%arg0: i32) -> (i32, i32) {
    %c0_i32 = arith.constant 0 : i32
    %c0_i32_0 = arith.constant 0 : i32
    return %c0_i32, %arg0 : i32, i32
  }
  func.func @transform_1(%arg0: i32) -> (i32, i32, i32) {
    %c0_i32 = arith.constant 0 : i32
    %c0_i32_0 = arith.constant 0 : i32
    %c0_i32_1 = arith.constant 0 : i32
    return %c0_i32, %arg0, %c0_i32_0 : i32, i32, i32
  }
  func.func @transform_2(%arg0: i32) -> (i32, i32) {
    %c0_i32 = arith.constant 0 : i32
    %c0_i32_0 = arith.constant 0 : i32
    return %arg0, %c0_i32 : i32, i32
  }
  func.func @transform_3(%arg0: i32) -> (i32, i32) {
    %c0_i32 = arith.constant 0 : i32
    %c0_i32_0 = arith.constant 0 : i32
    %c0_i32_1 = arith.constant 0 : i32
    return %c0_i32, %c0_i32_0 : i32, i32
  }
  func.func @transform_4(%arg0: i32) -> (i32, i32) {
    %c0_i32 = arith.constant 0 : i32
    %c0_i32_0 = arith.constant 0 : i32
    return %arg0, %c0_i32 : i32, i32
  }
}

</mosaic_0001>

<sc_bundles>
// kernel: kernel.10.cloned.1.call-start
scs
__scs_entry_jumppad:
0x0: {  	(pc) =	sbr.rel $0x88, $3  }
0x1: {  	(tag) =	ssettag $0x0;
	lr =	simm.s32 $0x1  }
0x2: {  	[smem:$0x3F9D] =	sst lr;
	_ =	strace $0xD0000000  }
0x3: {  	_ = 	snop  }
0x4: {  	_ = 	snop  }
0x5: {  	_ = 	snop  }
0x6: {  	_ = 	snop  }
0x7: {  	_ = 	snop  }
__scs_overlays_trampoline_lowered:
0x8: {  	[smem:$0x3FAC] =	sst s0  }
0x9: {  	[smem:$0x3FAD] =	sst s1  }
0xa: {  	[smem:$0x3FAE] =	sst s2  }
0xb: {  	[smem:$0x3FAF] =	sst s3  }
0xc: {  	[smem:$0x3FB0] =	sst s4  }
0xd: {  	[smem:$0x3FB1] =	sst s5  }
0xe: {  	[smem:$0x3FB2] =	sst s6  }
0xf: {  	[smem:$0x3FB3] =	sst s7  }
0x10: {  	[smem:$0x3FB4] =	sst s8  }
0x11: {  	[smem:$0x3FB5] =	sst s9;
	s0 =	simm.s32 @!p0 $0x0  }
0x12: {  	s1 =	sld [smem:$0x3F9B];
	s0 =	simm.s32 @p0 $0x1  }
0x13: {  	[smem:$0x3FB6] =	sst s0;
	s0 =	simm.s32 @!p1 $0x0  }
0x14: {  	s2 =	sld [smem:$0x3F9A];
	s0 =	simm.s32 @p1 $0x1  }
0x15: {  	[smem:$0x3FB7] =	sst s0;
	s0 =	simm.s32 @!p2 $0x0  }
0x16: {  	s3 =	sld [smem:$0x3FDB];
	s0 =	simm.s32 @p2 $0x1  }
0x17: {  	s4 =	simm.s32 $0x1BF5;
	[smem:$0x3FB9] =	sst s0  }
0x18: {  	s0 =	sld [smem:$0x3F9C];
	_ =	swait.ge [sflag:s4], $0x0  }
0x19: {  	s7 =	sld [smem:$0x3F9D]  }
0x1a: {  	s8 =	sadd.s32 $0xFFFFE003, lr  }
0x1b: {  	s9 =	sadd.s32 $0xFFFFFEF7, lr;
	s5 =	simm.s32 $0xFFFFFFFF;
	p2 =	slt.u32 s8, $0xFFFFF086  }
0x1c: {  	p1 =	slt.u32 s9, $0xF7A;
	s5 =	simm.s32 @!p2 $0x0  }
0x1d: {  	s5 =	simm.s32 @p1 $0x1;
	p0 =	seq.s32 s7, s2  }
0x1e: {  	s7 =	smul.u32 @!p0 $0xF7A, s2;
	p2 =	seq.s32 @!p0 s5, $0x0  }
0x1f: {  	s9 =	smul.u32 $0xF7A, s1;
	s8 =	simm.s32 @!p0 $0x1BF5;
	p2 =	por !p2, p0  }
0x20: {  	[sflag:s8] =	ssyncset.s32 @!p0 $0xFFFFF086;
	s6 =	sadd.s32 @!p0 s3, s7;
	s7 =	simm.s32 @!p0 $0x108  }
0x21: {  	s3 =	sadd.s32 s3, s9;
	s6 =	sadd.s32 @!p0 $0x88, s6;
	s7 =	simm.s32 @p2 $0x1082  }
0x22: {  	[simem:s7], [sflag:s8] =	dma.local @!p0 [hbm:s6], $0xF7A  }
0x23: {  	s9 =	sor.u32 $0xD0000000, s2;
	s6 =	simm.s32 $0x108;
	_ =	swait.ge @!p0 [sflag:s8], $0x0  }
0x24: {  	s3 =	sadd.s32 $0x88, s3;
	s6 =	simm.s32 @!p1 $0x1082;
	[sflag:s4] =	ssyncset.s32 $0xFFFFF086  }
0x25: {  	[simem:s6], [sflag:s4] =	dma.local [hbm:s3], $0xF7A  }
0x26: {  	[smem:$0x3F9D] =	sst s1;
	(tag) =	ssettag s2;
	_ =	strace s9  }
0x27: {  	s1 =	sld [smem:$0x3FAD]  }
0x28: {  	s2 =	sld [smem:$0x3FAE]  }
0x29: {  	s4 =	sld [smem:$0x3FB0]  }
0x2a: {  	p0 =	seq.s32 s5, $0x0;
	s5 =	sld [smem:$0x3FB1]  }
0x2b: {  	s6 =	sld [smem:$0x3FB2]  }
0x2c: {  	s7 =	sld [smem:$0x3FB3]  }
0x2d: {  	s3 =	simm.s32 $0x108;
	s8 =	sld [smem:$0x3FB4]  }
0x2e: {  	s3 =	simm.s32 @!p0 $0x1082;
	s9 =	sld [smem:$0x3FB5]  }
0x2f: {  	lr =	sadd.s32 s0, s3;
	s0 =	sld [smem:$0x3FAC]  }
0x30: {  	s3 =	sld [smem:$0x3FAF]  }
0x31: {  	[smem:$0x3FB8] =	sst s10  }
0x32: {  	s10 =	sld [smem:$0x3FB6];
	_ =	sdelay $0x3  }
0x33: {  	p0 =	seq.s32 s10, $0x1;
	s10 =	sld [smem:$0x3FB8];
	_ =	sdelay $0x3  }
0x34: {  	[smem:$0x3FB8] =	sst s10  }
0x35: {  	s10 =	sld [smem:$0x3FB7];
	_ =	sdelay $0x3  }
0x36: {  	p1 =	seq.s32 s10, $0x1;
	s10 =	sld [smem:$0x3FB8];
	_ =	sdelay $0x3  }
0x37: {  	[smem:$0x3FB8] =	sst s10  }
0x38: {  	s10 =	sld [smem:$0x3FB9]  }
0x39: {  	_ = 	snop;
	(pc) =	sbr.ind lr, $3  }
0x3a: {  	_ = 	snop  }
0x3b: {  	_ = 	snop  }
0x3c: {  	p2 =	seq.s32 s10, $0x1;
	s10 =	sld [smem:$0x3FB8]  }
0x3d: {  	_ =	shalt  }
0x3e: {  	_ =	shalt  }
0x3f: {  	_ =	shalt  }
0x40: {  	_ =	shalt  }
0x41: {  	_ =	shalt  }
0x42: {  	_ =	shalt  }
0x43: {  	_ =	shalt  }
0x44: {  	_ =	shalt  }
0x45: {  	_ =	shalt  }
0x46: {  	_ =	shalt  }
0x47: {  	_ =	shalt  }
0x48: {  	_ =	shalt  }
0x49: {  	_ =	shalt  }
0x4a: {  	_ =	shalt  }
0x4b: {  	_ =	shalt  }
0x4c: {  	_ =	shalt  }
0x4d: {  	_ =	shalt  }
0x4e: {  	_ =	shalt  }
0x4f: {  	_ =	shalt  }
0x50: {  	_ =	shalt  }
0x51: {  	_ =	shalt  }
0x52: {  	_ =	shalt  }
0x53: {  	_ =	shalt  }
0x54: {  	_ =	shalt  }
0x55: {  	_ =	shalt  }
0x56: {  	_ =	shalt  }
0x57: {  	_ =	shalt  }
0x58: {  	_ =	shalt  }
0x59: {  	_ =	shalt  }
0x5a: {  	_ =	shalt  }
0x5b: {  	_ =	shalt  }
0x5c: {  	_ =	shalt  }
0x5d: {  	_ =	shalt  }
0x5e: {  	_ =	shalt  }
0x5f: {  	_ =	shalt  }
0x60: {  	_ =	shalt  }
0x61: {  	_ =	shalt  }
0x62: {  	_ =	shalt  }
0x63: {  	_ =	shalt  }
0x64: {  	_ =	shalt  }
0x65: {  	_ =	shalt  }
0x66: {  	_ =	shalt  }
0x67: {  	_ =	shalt  }
0x68: {  	_ =	shalt  }
0x69: {  	_ =	shalt  }
0x6a: {  	_ =	shalt  }
0x6b: {  	_ =	shalt  }
0x6c: {  	_ =	shalt  }
0x6d: {  	_ =	shalt  }
0x6e: {  	_ =	shalt  }
0x6f: {  	_ =	shalt  }
0x70: {  	_ =	shalt  }
0x71: {  	_ =	shalt  }
0x72: {  	_ =	shalt  }
0x73: {  	_ =	shalt  }
0x74: {  	_ =	shalt  }
0x75: {  	_ =	shalt  }
0x76: {  	_ =	shalt  }
0x77: {  	_ =	shalt  }
0x78: {  	_ =	shalt  }
0x79: {  	_ =	shalt  }
0x7a: {  	_ =	shalt  }
0x7b: {  	_ =	shalt  }
0x7c: {  	_ =	shalt  }
0x7d: {  	_ =	shalt  }
0x7e: {  	_ =	shalt  }
0x7f: {  	_ =	shalt  }
0x80: {  	_ =	shalt  }
0x81: {  	_ =	shalt  }
0x82: {  	_ =	shalt  }
0x83: {  	_ =	shalt  }
0x84: {  	_ =	shalt  }
0x85: {  	_ =	shalt  }
0x86: {  	_ =	shalt  }
0x87: {  	_ =	shalt  }
.Lfunc_end0:
.L_simem_size_0:
called_computation.1_lowered:
.L_overlay_start_0:
0x88: {  	s2 =	sld [smem:$0x3FD9]  }
0x89: {  	s3 =	sld [smem:$0x3FFE];
	_ =	sdelay $0x1  }
0x8a: {  	s1 =	srdreg.scid  }
0x8b: {  	s0 =	sand.u32 $0x1, s1  }
0x8c: {  	s17 =	sshll.u32 s0, $0xA;
	s2 =	sadd.s32 s3, s2  }
0x8d: {  	s2 =	sadd.s32 s2, s17  }
0x8e: {  	[smem:$0x3FC4] =	sst s2  }
0x8f: {  	_ = 	snop  }
0x90: {  	s2 =	sld [smem:$0x3FD0];
	(tm) =	ssettm $0x1  }
0x91: {  	s18 =	sld [smem:$0x3FFB];
	_ =	sdelay $0x3  }
0x92: {  	_ =	strace s18  }
0x93: {  	s3 =	sld [smem:$0x3FFC];
	_ =	sdelay $0x3  }
0x94: {  	_ =	strace s3  }
0x95: {  	s3 =	sld [smem:$0x3FFD];
	_ =	sdelay $0x3  }
0x96: {  	_ =	strace s3  }
0x97: {  	_ =	strace $0x8FFFFFFF  }
0x98: {  	s19 =	sld [smem:$0x3FDB];
	_ =	sdelay $0x1  }
0x99: {  	s4 =	simm.s32 $_scs_section_size  }
0x9a: {  	s5 =	simm.s32 $_size__tile_overlayer_lowered;
	s6 =	simm.s32 $_tile_overlayer_lowered  }
0x9b: {  	s22 =	simm.s32 $0x1BFF;
	s21 =	sshll.u32 s6, $0x1;
	s3 =	sadd.s32 s4, s19  }
0x9c: {  	s7 =	simm.s32 $0x0;
	s20 =	sshll.u32 s5, $0x1;
	s5 =	sadd.s32 s21, s3  }
0x9d: {  	[timem:s7], [sflag:s22] =	dma.local [hbm:s5], s20  }
0x9e: {  	_ =	swait.ge [sflag:s22], s20  }
0x9f: {  	s4 =	ssub.s32 $0x0, s20;
	[sflag:s22] =	ssyncset.done $0x0  }
0xa0: {  	[sflag:s22] =	ssyncadd.s32 s4;
	_ =	sdelay $0x1  }
0xa1: {  	s23 =	simm.s32 $0x1B8B  }
0xa2: {  	_ =	swait.ge [sflag:s23], $0x1  }
0xa3: {  	[sflag:s23] =	ssyncset.done $0x0  }
0xa4: {  	s25 =	simm.s32 $0x1B8E;
	s24 =	sld [smem:$0x3FFE];
	[sflag:s23] =	ssyncadd.s32 $0xFFFFFFFF  }
0xa5: {  	s26 =	simm.s32 $execute0_lowered;
	[smem:$0x3FD2] =	sst s25  }
0xa6: {  	s5 =	sshll.u32 s26, $0x1;
	_ =	strace $0x80000049;
	[dreg:$0x1] =	wrdreg $0xFFFFFFFF  }
0xa7: {  	s28 =	simm.s32 $_size_execute0_lowered;
	s3 =	sadd.s32 s3, s5;
	[dreg:$0x0] =	wrdreg $0x0  }
0xa8: {  	s5 =	sshll.u32 s28, $0x1;
	[dreg:$0x2] =	wrdreg s3  }
0xa9: {  	[dreg:$0x3] =	wrdreg s5  }
0xaa: {  	[dreg:$0x4] =	wrdreg $0xC0  }
0xab: {  	_ =	task [dreg:s7], $0x5FFFF  }
0xac: {  	[dreg:$0x1] =	wrdreg $0xFFFFFFFF  }
0xad: {  	[dreg:$0x0] =	wrdreg $0x60  }
0xae: {  	[dreg:$0x2] =	wrdreg s24  }
0xaf: {  	[dreg:$0x3] =	wrdreg s2  }
0xb0: {  	[dreg:$0x4] =	wrdreg $0x7F000  }
0xb1: {  	[dreg:$0x5] =	wrdreg $0xCF000  }
0xb2: {  	[dreg:$0x6] =	wrdreg $0x11F000  }
0xb3: {  	[dreg:$0x7] =	wrdreg $0x9  }
0xb4: {  	_ =	task.clear_ibuf [dreg:s7], $0x8FFFF;
	_ =	strace $0x90000049  }
0xb5: {  	s29 =	simm.s32 $0x9;
	_ =	strace $0x8000004B  }
0xb6: {  	_ =	swait.ge [sflag:s29], $0x1  }
0xb7: {  	[sflag:s29] =	ssyncadd.s32 $0xFFFFFFFF  }
0xb8: {  	_ =	strace $0x9000004B  }
0xb9: {  	_ =	sfence  }
0xba: {  	s30 =	sld [smem:$0x0];
	_ =	sdelay $0x2  }
0xbb: {  	s31 =	sshll.u32 s1, $0xD;
	s1 =	sshrl.u32 s1, $0x2  }
0xbc: {  	s3 =	sand.u32 $0x4000, s31;
	s1 =	sadd.s32 s1, s30  }
0xbd: {  	s0 =	sor.u32 s3, s0;
	s1 =	sshll.u32 s1, $0x11  }
0xbe: {  	s0 =	sor.u32 s1, s0  }
0xbf: {  	s0 =	sadd.s32 $0x8F2B, s0  }
0xc0: {  	[sflag:s0] =	ssyncadd.remote.s32 $0x1  }
0xc1: {  	_ =	sfence.sel $0xFFFF  }
0xc2: {  	[dreg:$0x0] =	wrdreg $0xFFFFFFFF;
	(pc) =	sbr.abs _section_cstart, $3  }
0xc3: {  	[dreg:$0x1] =	wrdreg $0xFFFFFFFF  }
0xc4: {  	_ =	task.clear_ibuf [dreg:s7], $0x2FFFF;
	_ =	strace $0x9FFFFFFF  }
0xc5: {  	(tm) =	ssettm $0x7FFFFFFF  }
tec
execute0_lowered:
.L_overlay_start_1:
0x0: {  	(tag) =	ssettag $0x1  }
0x1: {  	s0 =	rddreg [dreg:$0x0]  }
0x2: {  	s2 =	rddreg [dreg:$0x1]  }
0x3: {  	s1 =	rddreg [dreg:$0x2]  }
0x4: {  	s3 =	rddreg [dreg:$0x3]  }
0x5: {  	s4 =	rddreg [dreg:$0x4]  }
0x6: {  	s5 =	srdreg.scid;
	s12 =	stileid.u32;
	s28 =	simm.s32 $0x5F00  }
0x7: {  	s29 =	simm.s32 $0x2;
	s30 =	simm.s32 $0x3;
	s31 =	simm.s32 $0x4D80  }
0x8: {  	s6 =	sand.u32 $0x1, s5;
	s5 =	simm.s32 $0x0;
	s8 =	smul.u32 $0x14000, s12  }
0x9: {  	s7 =	sshll.u32 s6, $0x4;
	[smem:$0x7FF] =	sst s5;
	s9 =	smul.u32 $0x140000, s6  }
0xa: {  	s6 =	ssub.s32 $0x2, s6;
	s15 =	sor.u32 s12, s7;
	_ =	strace $0x8000004A  }
0xb: {  	s17 =	sshrl.u32 s8, $0x3;
	s20 =	sshrl.u32 s6, $0x1;
	s12 =	smul.u32 $0x5000, s12  }
0xc: {  	s10 =	smul.u32 $0x4E, s15;
	s11 =	sadd.s32 s17, s0;
	s18 =	sadd.s32 s8, s9  }
0xd: {  	s19 =	smin.u32 s15, $0x4;
	s17 =	ssub.s32 s6, s20;
	s8 =	sshrl.u32 s8, $0x2  }
0xe: {  	p0 =	sgt.u32 s15, $0x3;
	s20 =	simm.s32 $0x4;
	s7 =	sshrl.u32 s18, $0x3  }
0xf: {  	s21 =	sadd.s32 s12, s1;
	s22 =	sadd.s32 $0x1A00, s11;
	s23 =	sadd.s32 s12, s3  }
0x10: {  	s8 =	sadd.s32 s8, s4;
	s24 =	sadd.s32 $0x1A04, s11;
	s26 =	smax.u32 s17, $0x1  }
0x11: {  	s9 =	sadd.s32 s19, s10;
	s0 =	sadd.s32 s7, s0;
	[dreg:$0x6] =	wrdreg s22  }
0x12: {  	[dreg:$0x7] =	wrdreg s24;
	s10 =	sadd.s32 s12, s4;
	s11 =	sadd.s32 $0x1000, s8  }
0x13: {  	s12 =	sadd.s32 $0x2000, s8;
	s13 =	sadd.s32 $0x3000, s8;
	s14 =	sadd.s32 $0x4000, s8  }
0x14: {  	[dreg:$0xa] =	wrdreg s26;
	s18 =	sshrl.u32 s21, $0x3;
	s19 =	simm.s32 $0x1  }
0x15: {  	s21 =	simm.s32 $0x10;
	s22 =	simm.s32 $0x6;
	s23 =	sshrl.u32 s23, $0x3  }
0x16: {  	s24 =	simm.s32 $0x6F00;
	s26 =	simm.s32 $0x4F00;
	s25 =	sadd.s32 $0x29A00, s0  }
0x17: {  	s9 =	sshll.u32 s9, $0x4;
	s0 =	sadd.s32 $0x29A04, s0;
	[dreg:$0x8] =	wrdreg s25  }
0x18: {  	s6 =	sadd.s32 s2, s9;
	[dreg:$0x9] =	wrdreg s0;
	s25 =	simm.s32 $0x80  }
0x19: {  	v0 =	vimm.f32 $0.0e+00;
	s0 =	simm.s32 $0x4E00;
	s2 =	simm.s32 $0x5;
	s7 =	sadd.s32 $0x9C40, s6  }
.LBB2_1:
0x1a: {  	s8 =	simm.s32 $0x80;
	s9 =	simm.s32 $0x0  }
.LBB2_2:
0x1b: {  	p1 =	sne.s32 s8, $0x3F80;
	[tilespmem:s9+$0x6F00] =	vst v0;
	s15 =	smov.u32 s8;
	s8 =	sadd.s32 $0x80, s8  }
.Ltmp0:
0x1c: {  	[tilespmem:s9+$0x6F10] =	vst v0;
	(pc) =	sbr.rel @p1 .LBB2_2-.Ltmp0, $2  }
0x1d: {  	_ =	sdelay $0x2  }
0x1e: {  	s9 =	sshra.s32 s15, $0x2  }
0x1f: {  	[tilespmem:s9+$0x6F00] =	vst v0  }
0x20: {  	[tilespmem:s9+$0x6F10] =	vst v0;
	s8 =	simm.s32 @p0 $0x0;
	s9 =	simm.s32 @p0 $0x6  }
0x21: {  	[tilespmem:s8], [sflag:$0x6] =	stream.linear.gather @p0 [hbm4b:s6+s8], $0x2700, $0x38;
	[tilespmem:$0x16F00] =	vst v63  }
0x22: {  	_ =	swait.ge @p0 [sflag:s9], $0x2700  }
0x23: {  	[sflag:s9] =	ssyncset.done @p0 $0x0  }
0x24: {  	s15 =	simm.s32 @p0 $0x2780;
	[sflag:s9] =	ssyncadd.s32 @p0 $0xFFFFD900  }
0x25: {  	[tilespmem:s15], [sflag:$0x6] =	stream.linear.gather @p0 [hbm4b:s7+s8], $0x2700, $0x38;
	[tilespmem:$0x16F00] =	vst v63  }
0x26: {  	_ =	swait.ge @p0 [sflag:s9], $0x2700  }
0x27: {  	[sflag:s9] =	ssyncset.done @p0 $0x0  }
0x28: {  	s8 =	simm.s32 @!p0 $0x0;
	[sflag:s9] =	ssyncadd.s32 @p0 $0xFFFFD900;
	s9 =	simm.s32 @!p0 $0x6  }
0x29: {  	[tilespmem:s8], [sflag:$0x6] =	stream.linear.gather @!p0 [hbm4b:s6+s8], $0x2780, $0x38;
	[tilespmem:$0x16F00] =	vst v63  }
0x2a: {  	_ =	swait.ge @!p0 [sflag:s9], $0x2780  }
0x2b: {  	[sflag:s9] =	ssyncset.done @!p0 $0x0  }
0x2c: {  	s15 =	simm.s32 @!p0 $0x2780;
	[sflag:s9] =	ssyncadd.s32 @!p0 $0xFFFFD880  }
0x2d: {  	[tilespmem:s15], [sflag:$0x6] =	stream.linear.gather @!p0 [hbm4b:s7+s8], $0x2780, $0x38;
	[tilespmem:$0x16F00] =	vst v63  }
0x2e: {  	s15 =	stileid.u32;
	_ =	swait.ge @!p0 [sflag:s9], $0x2780  }
0x2f: {  	s16 =	sshll.u32 s15, $0x6;
	[sflag:s9] =	ssyncset.done @!p0 $0x0  }
0x30: {  	s8 =	sor.u32 $0x1C06, s16;
	s17 =	rddreg [dreg:$0x6];
	[sflag:s9] =	ssyncadd.s32 @!p0 $0xFFFFD880  }
0x31: {  	[spmem:s18@s20], [sflag:s8] =	dma.strided [hbm:s17@s21], $0xA00, s19, $0x4   }
0x32: {  	_ =	swait.ge [sflag:s22], $0xA00  }
0x33: {  	[sflag:s22] =	ssyncset.done $0x0  }
0x34: {  	s15 =	sor.u32 $0x1C05, s16;
	s16 =	rddreg [dreg:$0x7];
	[sflag:s22] =	ssyncadd.s32 $0xFFFFF600  }
0x35: {  	[spmem:s23@s20], [sflag:s15] =	dma.strided [hbm:s16@s21], $0xA00, s19, $0x4   }
0x36: {  	[spmem:s10] =	stream.linear.scatter [tilespmem:s24], [sflag:$0x6], $0x1000, $0x38;
	[tilespmem:$0x16F00] =	vst v63  }
0x37: {  	_ =	swait.ge [sflag:s22], $0x1000  }
0x38: {  	[sflag:s22] =	ssyncset.done $0x0  }
0x39: {  	[sflag:s22] =	ssyncadd.s32 $0xFFFFF000  }
0x3a: {  	[spmem:s11] =	stream.linear.scatter [tilespmem:s24], [sflag:$0x6], $0x1000, $0x38;
	[tilespmem:$0x16F00] =	vst v63  }
0x3b: {  	_ =	swait.ge [sflag:s22], $0x1000  }
0x3c: {  	[sflag:s22] =	ssyncset.done $0x0  }
0x3d: {  	[sflag:s22] =	ssyncadd.s32 $0xFFFFF000  }
0x3e: {  	[spmem:s12] =	stream.linear.scatter [tilespmem:s24], [sflag:$0x6], $0x1000, $0x38;
	[tilespmem:$0x16F00] =	vst v63  }
0x3f: {  	_ =	swait.ge [sflag:s22], $0x1000  }
0x40: {  	[sflag:s22] =	ssyncset.done $0x0  }
0x41: {  	[sflag:s22] =	ssyncadd.s32 $0xFFFFF000  }
0x42: {  	[spmem:s13] =	stream.linear.scatter [tilespmem:s24], [sflag:$0x6], $0x1000, $0x38;
	[tilespmem:$0x16F00] =	vst v63  }
0x43: {  	_ =	swait.ge [sflag:s22], $0x1000  }
0x44: {  	[sflag:s22] =	ssyncset.done $0x0  }
0x45: {  	[sflag:s22] =	ssyncadd.s32 $0xFFFFF000  }
0x46: {  	[spmem:s14] =	stream.linear.scatter [tilespmem:s24], [sflag:$0x6], $0x1000, $0x38;
	[tilespmem:$0x16F00] =	vst v63  }
0x47: {  	_ =	swait.ge [sflag:s22], $0x1000  }
0x48: {  	[sflag:s22] =	ssyncset.done $0x0  }
0x49: {  	[sflag:s22] =	ssyncadd.s32 $0xFFFFF000  }
0x4a: {  	s17 =	simm.s32 $0x0;
	[bflag:$0x0] =	sbarrier.arrive $0xFFFF  }
0x4b: {  	[tilespmem:s26], [sflag:$0x1] =	stream.indirect.gather [spmem:s1], $0x20, s17, s25, $0xb8;
	[tilespmem:$0x16F00] =	vst v63  }
0x4c: {  	_ = 	snop  }
0x4d: {  	[tilespmem:s28], [sflag:$0x2] =	stream.indirect.gather [spmem:s1], $0x20, s25, s25, $0xb8;
	[tilespmem:$0x16F00] =	vst v63  }
0x4e: {  	_ =	swait.ge [sflag:s19], $0x1000  }
0x4f: {  	[sflag:s19] =	ssyncset.done $0x0  }
0x50: {  	s15 =	simm.s32 $0x2780;
	[sflag:s19] =	ssyncadd.s32 $0xFFFFF000  }
0x51: {  	[spmem:s4] =	stream.indirect.scatter.add.f32 [tilespmem:s26], [sflag:$0x3], $0x20, s15, s25, $0xb8;
	[tilespmem:$0x16F00] =	vst v63  }
0x52: {  	_ =	swait.ge [sflag:s29], $0x1000  }
0x53: {  	[sflag:s29] =	ssyncset.done $0x0  }
0x54: {  	s16 =	simm.s32 $0x2800;
	[sflag:s29] =	ssyncadd.s32 $0xFFFFF000  }
0x55: {  	[spmem:s4] =	stream.indirect.scatter.add.f32 [tilespmem:s28], [sflag:$0x4], $0x20, s16, s25, $0xb8;
	[tilespmem:$0x16F00] =	vst v63  }
0x56: {  	_ =	swait.ge [sflag:s30], $0x1000  }
0x57: {  	[sflag:s30] =	ssyncset.done $0x0  }
0x58: {  	s17 =	simm.s32 $0x100;
	[sflag:s30] =	ssyncadd.s32 $0xFFFFF000  }
0x59: {  	[tilespmem:s26], [sflag:$0x1] =	stream.indirect.gather [spmem:s1], $0x20, s17, s25, $0xb8;
	[tilespmem:$0x16F00] =	vst v63  }
0x5a: {  	_ =	swait.ge [sflag:s20], $0x1000  }
0x5b: {  	[sflag:s20] =	ssyncset.done $0x0  }
0x5c: {  	s9 =	simm.s32 $0x400;
	s15 =	simm.s32 $0x180;
	[sflag:s20] =	ssyncadd.s32 $0xFFFFF000  }
.LBB2_4:
0x5d: {  	[tilespmem:s28], [sflag:$0x2] =	stream.indirect.gather [spmem:s1], $0x20, s15, s25, $0xb8;
	[tilespmem:$0x16F00] =	vst v63  }
0x5e: {  	s15 =	smov.u32 s9  }
0x5f: {  	p1 =	sne.s32 s9, $0x9400;
	s9 =	sadd.s32 $0x400, s9;
	_ =	swait.ge [sflag:s19], $0x1000  }
0x60: {  	s15 =	sshra.s32 s15, $0x2;
	[sflag:s19] =	ssyncset.done $0x0  }
0x61: {  	s16 =	sadd.s32 $0x2780, s15;
	[sflag:s19] =	ssyncadd.s32 $0xFFFFF000  }
0x62: {  	[spmem:s4] =	stream.indirect.scatter.add.f32 [tilespmem:s26], [sflag:$0x3], $0x20, s16, s25, $0xb8;
	[tilespmem:$0x16F00] =	vst v63  }
0x63: {  	_ =	swait.ge [sflag:s29], $0x1000  }
0x64: {  	[sflag:s29] =	ssyncset.done $0x0  }
0x65: {  	s16 =	sadd.s32 $0x2800, s15;
	[sflag:s29] =	ssyncadd.s32 $0xFFFFF000  }
0x66: {  	[spmem:s4] =	stream.indirect.scatter.add.f32 [tilespmem:s28], [sflag:$0x4], $0x20, s16, s25, $0xb8;
	[tilespmem:$0x16F00] =	vst v63  }
0x67: {  	_ =	swait.ge [sflag:s30], $0x1000  }
0x68: {  	[sflag:s30] =	ssyncset.done $0x0  }
.Ltmp1:
0x69: {  	s16 =	sadd.s32 $0x100, s15;
	[sflag:s30] =	ssyncadd.s32 $0xFFFFF000;
	(pc) =	sbr.rel @p1 .LBB2_4-.Ltmp1, $4  }
0x6a: {  	[tilespmem:s26], [sflag:$0x1] =	stream.indirect.gather [spmem:s1], $0x20, s16, s25, $0xb8;
	[tilespmem:$0x16F00] =	vst v63  }
0x6b: {  	_ =	swait.ge [sflag:s20], $0x1000  }
0x6c: {  	[sflag:s20] =	ssyncset.done $0x0  }
0x6d: {  	s15 =	sadd.s32 $0x180, s15;
	[sflag:s20] =	ssyncadd.s32 $0xFFFFF000  }
0x6e: {  	[tilespmem:s28], [sflag:$0x2] =	stream.indirect.gather [spmem:s1], $0x20, s15, s25, $0xb8;
	[tilespmem:$0x16F00] =	vst v63  }
0x6f: {  	_ =	swait.ge [sflag:s19], $0x1000  }
0x70: {  	[sflag:s19] =	ssyncset.done $0x0  }
0x71: {  	[sflag:s19] =	ssyncadd.s32 $0xFFFFF000  }
0x72: {  	[spmem:s4] =	stream.indirect.scatter.add.f32 [tilespmem:s26], [sflag:$0x3], $0x20, s31, s25, $0xb8;
	[tilespmem:$0x16F00] =	vst v63  }
0x73: {  	_ =	swait.ge [sflag:s29], $0x1000  }
0x74: {  	[sflag:s29] =	ssyncset.done $0x0  }
0x75: {  	[sflag:s29] =	ssyncadd.s32 $0xFFFFF000  }
0x76: {  	[spmem:s4] =	stream.indirect.scatter.add.f32 [tilespmem:s28], [sflag:$0x4], $0x20, s0, s25, $0xb8;
	[tilespmem:$0x16F00] =	vst v63  }
0x77: {  	_ =	swait.ge [sflag:s30], $0x1000  }
.Ltmp2:
0x78: {  	[sflag:s30] =	ssyncset.done $0x0;
	(pc) =	sbr.rel @p0 .LBB2_9-.Ltmp2, $4  }
0x79: {  	[sflag:s30] =	ssyncadd.s32 $0xFFFFF000  }
0x7a: {  	_ =	swait.ge [sflag:s20], $0x1000  }
0x7b: {  	[sflag:s20] =	ssyncset.done $0x0  }
0x7c: {  	[sflag:s20] =	ssyncadd.s32 $0xFFFFF000  }
0x7d: {  	s9 =	simm.s32 $0x2700  }
0x7e: {  	[tilespmem:s24], [sflag:$0x6] =	stream.indirect.gather [spmem:s1], $0x20, s9, s25, $0xb8;
	[tilespmem:$0x16F00] =	vst v63  }
0x7f: {  	_ =	swait.ge [sflag:s22], $0x1000  }
0x80: {  	[sflag:s22] =	ssyncset.done $0x0  }
0x81: {  	s16 =	simm.s32 $0x4E80;
	[sflag:s22] =	ssyncadd.s32 $0xFFFFF000  }
0x82: {  	[spmem:s4] =	stream.indirect.scatter.add.f32 [tilespmem:s24], [sflag:$0x6], $0x20, s16, s25, $0xb8;
	[tilespmem:$0x16F00] =	vst v63  }
0x83: {  	_ =	swait.ge [sflag:s22], $0x1000  }
0x84: {  	[sflag:s22] =	ssyncset.done $0x0  }
0x85: {  	[sflag:s22] =	ssyncadd.s32 $0xFFFFF000  }
0x86: {  	[bflag:$0x0] =	sbarrier.arrive $0xFFFF  }
0x87: {  	s17 =	sshrl.u32 s10, $0x3;
	s15 =	rddreg [dreg:$0x8]  }
0x88: {  	[hbm:s15@s21], [sflag:s8] =	dma.strided [spmem:s17@s20], $0xA00, s19, $0x4   }
0x89: {  	_ =	swait.ge [sflag:s22], $0xA00  }
0x8a: {  	[sflag:s22] =	ssyncset.done $0x0  }
0x8b: {  	s9 =	simm.s32 $0x80;
	s15 =	simm.s32 $0x0;
	[sflag:s22] =	ssyncadd.s32 $0xFFFFF600  }
.LBB2_7:
0x8c: {  	p1 =	seq.s32 s9, $0x3F80;
	[tilespmem:s15+$0x6F00] =	vst v0;
	s16 =	smov.u32 s9;
	s9 =	sadd.s32 $0x80, s9  }
.Ltmp3:
0x8d: {  	[tilespmem:s15+$0x6F10] =	vst v0;
	(pc) =	sbr.rel @!p1 .LBB2_7-.Ltmp3, $2  }
0x8e: {  	_ =	sdelay $0x2  }
0x8f: {  	s15 =	sshra.s32 s16, $0x2  }
.Ltmp4:
0x90: {  	(pc) =	sbr.rel .LBB2_10-.Ltmp4, $3  }
0x91: {  	_ =	sdelay $0x1  }
0x92: {  	[tilespmem:s15+$0x6F00] =	vst v0  }
0x93: {  	[tilespmem:s15+$0x6F10] =	vst v0  }
.LBB2_9:
0x94: {  	[bflag:$0x0] =	sbarrier.arrive $0xFFFF  }
0x95: {  	s9 =	sshrl.u32 s10, $0x3;
	s15 =	rddreg [dreg:$0x8]  }
0x96: {  	[hbm:s15@s21], [sflag:s8] =	dma.strided [spmem:s9@s20], $0xA00, s19, $0x4   }
0x97: {  	_ =	swait.ge [sflag:s22], $0xA00  }
0x98: {  	[sflag:s22] =	ssyncset.done $0x0  }
0x99: {  	[sflag:s22] =	ssyncadd.s32 $0xFFFFF600  }
.LBB2_10:
0x9a: {  	_ =	swait.ge [sflag:s2], $0xA00  }
0x9b: {  	[sflag:s2] =	ssyncset.done $0x0  }
0x9c: {  	[sflag:s2] =	ssyncadd.s32 $0xFFFFF600  }
0x9d: {  	[spmem:s10] =	stream.linear.scatter [tilespmem:s24], [sflag:$0x6], $0x1000, $0x38;
	[tilespmem:$0x16F00] =	vst v63  }
0x9e: {  	_ =	swait.ge [sflag:s22], $0x1000  }
0x9f: {  	[sflag:s22] =	ssyncset.done $0x0  }
0xa0: {  	[sflag:s22] =	ssyncadd.s32 $0xFFFFF000  }
0xa1: {  	[spmem:s11] =	stream.linear.scatter [tilespmem:s24], [sflag:$0x6], $0x1000, $0x38;
	[tilespmem:$0x16F00] =	vst v63  }
0xa2: {  	_ =	swait.ge [sflag:s22], $0x1000  }
0xa3: {  	[sflag:s22] =	ssyncset.done $0x0  }
0xa4: {  	[sflag:s22] =	ssyncadd.s32 $0xFFFFF000  }
0xa5: {  	[spmem:s12] =	stream.linear.scatter [tilespmem:s24], [sflag:$0x6], $0x1000, $0x38;
	[tilespmem:$0x16F00] =	vst v63  }
0xa6: {  	_ =	swait.ge [sflag:s22], $0x1000  }
0xa7: {  	[sflag:s22] =	ssyncset.done $0x0  }
0xa8: {  	[sflag:s22] =	ssyncadd.s32 $0xFFFFF000  }
0xa9: {  	[spmem:s13] =	stream.linear.scatter [tilespmem:s24], [sflag:$0x6], $0x1000, $0x38;
	[tilespmem:$0x16F00] =	vst v63  }
0xaa: {  	_ =	swait.ge [sflag:s22], $0x1000  }
0xab: {  	[sflag:s22] =	ssyncset.done $0x0  }
0xac: {  	[sflag:s22] =	ssyncadd.s32 $0xFFFFF000  }
0xad: {  	[spmem:s14] =	stream.linear.scatter [tilespmem:s24], [sflag:$0x6], $0x1000, $0x38;
	[tilespmem:$0x16F00] =	vst v63  }
0xae: {  	_ =	swait.ge [sflag:s22], $0x1000  }
0xaf: {  	[sflag:s22] =	ssyncset.done $0x0  }
0xb0: {  	[sflag:s22] =	ssyncadd.s32 $0xFFFFF000  }
0xb1: {  	s9 =	simm.s32 $0x0;
	[bflag:$0x0] =	sbarrier.arrive $0xFFFF  }
0xb2: {  	[tilespmem:s26], [sflag:$0x1] =	stream.indirect.gather [spmem:s3], $0x20, s9, s25, $0xb8;
	[tilespmem:$0x16F00] =	vst v63  }
0xb3: {  	_ = 	snop  }
0xb4: {  	[tilespmem:s28], [sflag:$0x2] =	stream.indirect.gather [spmem:s3], $0x20, s25, s25, $0xb8;
	[tilespmem:$0x16F00] =	vst v63  }
0xb5: {  	_ =	swait.ge [sflag:s19], $0x1000  }
0xb6: {  	[sflag:s19] =	ssyncset.done $0x0  }
0xb7: {  	s15 =	simm.s32 $0x2780;
	[sflag:s19] =	ssyncadd.s32 $0xFFFFF000  }
0xb8: {  	[spmem:s4] =	stream.indirect.scatter.add.f32 [tilespmem:s26], [sflag:$0x3], $0x20, s15, s25, $0xb8;
	[tilespmem:$0x16F00] =	vst v63  }
0xb9: {  	_ =	swait.ge [sflag:s29], $0x1000  }
0xba: {  	[sflag:s29] =	ssyncset.done $0x0  }
0xbb: {  	s16 =	simm.s32 $0x2800;
	[sflag:s29] =	ssyncadd.s32 $0xFFFFF000  }
0xbc: {  	[spmem:s4] =	stream.indirect.scatter.add.f32 [tilespmem:s28], [sflag:$0x4], $0x20, s16, s25, $0xb8;
	[tilespmem:$0x16F00] =	vst v63  }
0xbd: {  	_ =	swait.ge [sflag:s30], $0x1000  }
0xbe: {  	[sflag:s30] =	ssyncset.done $0x0  }
0xbf: {  	s17 =	simm.s32 $0x100;
	[sflag:s30] =	ssyncadd.s32 $0xFFFFF000  }
0xc0: {  	[tilespmem:s26], [sflag:$0x1] =	stream.indirect.gather [spmem:s3], $0x20, s17, s25, $0xb8;
	[tilespmem:$0x16F00] =	vst v63  }
0xc1: {  	_ =	swait.ge [sflag:s20], $0x1000  }
0xc2: {  	[sflag:s20] =	ssyncset.done $0x0  }
0xc3: {  	s9 =	simm.s32 $0x400;
	s15 =	simm.s32 $0x180;
	[sflag:s20] =	ssyncadd.s32 $0xFFFFF000  }
.LBB2_11:
0xc4: {  	[tilespmem:s28], [sflag:$0x2] =	stream.indirect.gather [spmem:s3], $0x20, s15, s25, $0xb8;
	[tilespmem:$0x16F00] =	vst v63  }
0xc5: {  	s15 =	smov.u32 s9  }
0xc6: {  	p1 =	sne.s32 s9, $0x9400;
	s9 =	sadd.s32 $0x400, s9;
	_ =	swait.ge [sflag:s19], $0x1000  }
0xc7: {  	s15 =	sshra.s32 s15, $0x2;
	[sflag:s19] =	ssyncset.done $0x0  }
0xc8: {  	s16 =	sadd.s32 $0x2780, s15;
	[sflag:s19] =	ssyncadd.s32 $0xFFFFF000  }
0xc9: {  	[spmem:s4] =	stream.indirect.scatter.add.f32 [tilespmem:s26], [sflag:$0x3], $0x20, s16, s25, $0xb8;
	[tilespmem:$0x16F00] =	vst v63  }
0xca: {  	_ =	swait.ge [sflag:s29], $0x1000  }
0xcb: {  	[sflag:s29] =	ssyncset.done $0x0  }
0xcc: {  	s16 =	sadd.s32 $0x2800, s15;
	[sflag:s29] =	ssyncadd.s32 $0xFFFFF000  }
0xcd: {  	[spmem:s4] =	stream.indirect.scatter.add.f32 [tilespmem:s28], [sflag:$0x4], $0x20, s16, s25, $0xb8;
	[tilespmem:$0x16F00] =	vst v63  }
0xce: {  	_ =	swait.ge [sflag:s30], $0x1000  }
0xcf: {  	[sflag:s30] =	ssyncset.done $0x0  }
.Ltmp5:
0xd0: {  	s16 =	sadd.s32 $0x100, s15;
	[sflag:s30] =	ssyncadd.s32 $0xFFFFF000;
	(pc) =	sbr.rel @p1 .LBB2_11-.Ltmp5, $4  }
0xd1: {  	[tilespmem:s26], [sflag:$0x1] =	stream.indirect.gather [spmem:s3], $0x20, s16, s25, $0xb8;
	[tilespmem:$0x16F00] =	vst v63  }
0xd2: {  	_ =	swait.ge [sflag:s20], $0x1000  }
0xd3: {  	[sflag:s20] =	ssyncset.done $0x0  }
0xd4: {  	s15 =	sadd.s32 $0x180, s15;
	[sflag:s20] =	ssyncadd.s32 $0xFFFFF000  }
0xd5: {  	[tilespmem:s28], [sflag:$0x2] =	stream.indirect.gather [spmem:s3], $0x20, s15, s25, $0xb8;
	[tilespmem:$0x16F00] =	vst v63  }
0xd6: {  	_ =	swait.ge [sflag:s19], $0x1000  }
0xd7: {  	[sflag:s19] =	ssyncset.done $0x0  }
0xd8: {  	[sflag:s19] =	ssyncadd.s32 $0xFFFFF000  }
0xd9: {  	[spmem:s4] =	stream.indirect.scatter.add.f32 [tilespmem:s26], [sflag:$0x3], $0x20, s31, s25, $0xb8;
	[tilespmem:$0x16F00] =	vst v63  }
0xda: {  	_ =	swait.ge [sflag:s29], $0x1000  }
0xdb: {  	[sflag:s29] =	ssyncset.done $0x0  }
0xdc: {  	[sflag:s29] =	ssyncadd.s32 $0xFFFFF000  }
0xdd: {  	[spmem:s4] =	stream.indirect.scatter.add.f32 [tilespmem:s28], [sflag:$0x4], $0x20, s0, s25, $0xb8;
	[tilespmem:$0x16F00] =	vst v63  }
0xde: {  	_ =	swait.ge [sflag:s30], $0x1000  }
0xdf: {  	[sflag:s30] =	ssyncset.done $0x0  }
0xe0: {  	[sflag:s30] =	ssyncadd.s32 $0xFFFFF000  }
0xe1: {  	_ =	swait.ge [sflag:s20], $0x1000  }
0xe2: {  	s9 =	simm.s32 @!p0 $0x80;
	[sflag:s20] =	ssyncset.done $0x0  }
0xe3: {  	s15 =	simm.s32 @!p0 $0x2700;
	s16 =	simm.s32 @!p0 $0x6F00;
	[sflag:s20] =	ssyncadd.s32 $0xFFFFF000  }
0xe4: {  	[tilespmem:s16], [sflag:$0x6] =	stream.indirect.gather @!p0 [spmem:s3], $0x20, s15, s9, $0xb8;
	[tilespmem:$0x16F00] =	vst v63  }
0xe5: {  	s15 =	simm.s32 @!p0 $0x6  }
0xe6: {  	_ =	swait.ge @!p0 [sflag:s15], $0x1000  }
0xe7: {  	[sflag:s15] =	ssyncset.done @!p0 $0x0  }
0xe8: {  	s17 =	simm.s32 @!p0 $0x4E80;
	[sflag:s15] =	ssyncadd.s32 @!p0 $0xFFFFF000  }
0xe9: {  	[spmem:s4] =	stream.indirect.scatter.add.f32 @!p0 [tilespmem:s16], [sflag:$0x6], $0x20, s17, s9, $0xb8;
	[tilespmem:$0x16F00] =	vst v63  }
0xea: {  	_ =	swait.ge @!p0 [sflag:s15], $0x1000  }
0xeb: {  	[sflag:s15] =	ssyncset.done @!p0 $0x0  }
0xec: {  	[sflag:s15] =	ssyncadd.s32 @!p0 $0xFFFFF000  }
0xed: {  	[bflag:$0x0] =	sbarrier.arrive $0xFFFF  }
0xee: {  	s15 =	sshrl.u32 s10, $0x3;
	s16 =	rddreg [dreg:$0x9]  }
0xef: {  	[hbm:s16@s21], [sflag:s8] =	dma.strided [spmem:s15@s20], $0xA00, s19, $0x4   }
0xf0: {  	_ =	swait.ge [sflag:s22], $0xA00  }
0xf1: {  	s5 =	sadd.s32 $0x1, s5;
	s17 =	rddreg [dreg:$0xa]  }
0xf2: {  	p1 =	sne.s32 s5, s17  }
.Ltmp6:
0xf3: {  	_ = 	snop;
	(pc) =	sbr.rel @p1 .LBB2_1-.Ltmp6, $3  }
0xf4: {  	_ =	sdelay $0x1  }
0xf5: {  	[sflag:s22] =	ssyncset.done $0x0  }
0xf6: {  	[sflag:s22] =	ssyncadd.s32 $0xFFFFF600  }
0xf7: {  	_ =	sfence.sel $0x180000  }
0xf8: {  	[bflag:$0x0] =	sbarrier.arrive $0xFFFF  }
0xf9: {  	_ =	strace $0x9000004A  }
0xfa: {  	s0 =	stileid.u32;
	[bflag:$0x2] =	sbarrier.arrive $0xFFFF  }
0xfb: {  	p0 =	sne.s32 s0, $0x0;
	s0 =	rddreg [dreg:$0x5]  }
0xfc: {  	s0 =	sadd.s32 @!p0 $0x100000, s0  }
0xfd: {  	[sflag:s0] =	ssyncadd.tile.s32 @!p0 $0x1;
	_ =	shalt  }
.Lfunc_end2:
_tile_overlayer_lowered:
.L_overlay_start_2:
0xfe: {  	(tag) =	ssettag $0x2  }
0xff: {  	s0 =	rddreg [dreg:$0x0];
	s2 =	stileid.u32  }
0x100: {  	s1 =	rddreg [dreg:$0x1];
	p0 =	sne.s32 s2, $0x0  }
0x101: {  	s3 =	rddreg [dreg:$0x2];
	[bflag:$0x3] =	sbarrier.arrive $0xFFFF;
	s2 =	simm.s32 @!p0 $0x1C06  }
0x102: {  	[timem:s3], [sflag:s2] =	dma.local @!p0 [hbm:s0], s1  }
0x103: {  	s0 =	simm.s32 @!p0 $0x6  }
0x104: {  	_ =	swait.ge @!p0 [sflag:s0], s1  }
0x105: {  	s1 =	ssub.s32 @!p0 $0x0, s1;
	[sflag:s0] =	ssyncset.done @!p0 $0x0  }
0x106: {  	[sflag:s0] =	ssyncadd.s32 @!p0 s1  }
0x107: {  	[bflag:$0x3] =	sbarrier.arrive $0xFFFF  }
0x108: {  	_ =	shalt  }

// kernel: kernel.7.cloned.1.call-start
scs
__scs_entry_jumppad:
0x0: {  	(pc) =	sbr.rel $0x88, $3  }
0x1: {  	(tag) =	ssettag $0x0;
	lr =	simm.s32 $0x1  }
0x2: {  	[smem:$0x3F9D] =	sst lr;
	_ =	strace $0xD0000000  }
0x3: {  	_ = 	snop  }
0x4: {  	_ = 	snop  }
0x5: {  	_ = 	snop  }
0x6: {  	_ = 	snop  }
0x7: {  	_ = 	snop  }
__scs_overlays_trampoline_lowered:
0x8: {  	[smem:$0x3FAC] =	sst s0  }
0x9: {  	[smem:$0x3FAD] =	sst s1  }
0xa: {  	[smem:$0x3FAE] =	sst s2  }
0xb: {  	[smem:$0x3FAF] =	sst s3  }
0xc: {  	[smem:$0x3FB0] =	sst s4  }
0xd: {  	[smem:$0x3FB1] =	sst s5  }
0xe: {  	[smem:$0x3FB2] =	sst s6  }
0xf: {  	[smem:$0x3FB3] =	sst s7  }
0x10: {  	[smem:$0x3FB4] =	sst s8  }
0x11: {  	[smem:$0x3FB5] =	sst s9;
	s0 =	simm.s32 @!p0 $0x0  }
0x12: {  	s1 =	sld [smem:$0x3F9B];
	s0 =	simm.s32 @p0 $0x1  }
0x13: {  	[smem:$0x3FB6] =	sst s0;
	s0 =	simm.s32 @!p1 $0x0  }
0x14: {  	s2 =	sld [smem:$0x3F9A];
	s0 =	simm.s32 @p1 $0x1  }
0x15: {  	[smem:$0x3FB7] =	sst s0;
	s0 =	simm.s32 @!p2 $0x0  }
0x16: {  	s3 =	sld [smem:$0x3FDB];
	s0 =	simm.s32 @p2 $0x1  }
0x17: {  	s4 =	simm.s32 $0x1BF5;
	[smem:$0x3FB9] =	sst s0  }
0x18: {  	s0 =	sld [smem:$0x3F9C];
	_ =	swait.ge [sflag:s4], $0x0  }
0x19: {  	s7 =	sld [smem:$0x3F9D]  }
0x1a: {  	s8 =	sadd.s32 $0xFFFFE003, lr  }
0x1b: {  	s9 =	sadd.s32 $0xFFFFFEF7, lr;
	s5 =	simm.s32 $0xFFFFFFFF;
	p2 =	slt.u32 s8, $0xFFFFF086  }
0x1c: {  	p1 =	slt.u32 s9, $0xF7A;
	s5 =	simm.s32 @!p2 $0x0  }
0x1d: {  	s5 =	simm.s32 @p1 $0x1;
	p0 =	seq.s32 s7, s2  }
0x1e: {  	s7 =	smul.u32 @!p0 $0xF7A, s2;
	p2 =	seq.s32 @!p0 s5, $0x0  }
0x1f: {  	s9 =	smul.u32 $0xF7A, s1;
	s8 =	simm.s32 @!p0 $0x1BF5;
	p2 =	por !p2, p0  }
0x20: {  	[sflag:s8] =	ssyncset.s32 @!p0 $0xFFFFF086;
	s6 =	sadd.s32 @!p0 s3, s7;
	s7 =	simm.s32 @!p0 $0x108  }
0x21: {  	s3 =	sadd.s32 s3, s9;
	s6 =	sadd.s32 @!p0 $0x88, s6;
	s7 =	simm.s32 @p2 $0x1082  }
0x22: {  	[simem:s7], [sflag:s8] =	dma.local @!p0 [hbm:s6], $0xF7A  }
0x23: {  	s9 =	sor.u32 $0xD0000000, s2;
	s6 =	simm.s32 $0x108;
	_ =	swait.ge @!p0 [sflag:s8], $0x0  }
0x24: {  	s3 =	sadd.s32 $0x88, s3;
	s6 =	simm.s32 @!p1 $0x1082;
	[sflag:s4] =	ssyncset.s32 $0xFFFFF086  }
0x25: {  	[simem:s6], [sflag:s4] =	dma.local [hbm:s3], $0xF7A  }
0x26: {  	[smem:$0x3F9D] =	sst s1;
	(tag) =	ssettag s2;
	_ =	strace s9  }
0x27: {  	s1 =	sld [smem:$0x3FAD]  }
0x28: {  	s2 =	sld [smem:$0x3FAE]  }
0x29: {  	s4 =	sld [smem:$0x3FB0]  }
0x2a: {  	p0 =	seq.s32 s5, $0x0;
	s5 =	sld [smem:$0x3FB1]  }
0x2b: {  	s6 =	sld [smem:$0x3FB2]  }
0x2c: {  	s7 =	sld [smem:$0x3FB3]  }
0x2d: {  	s3 =	simm.s32 $0x108;
	s8 =	sld [smem:$0x3FB4]  }
0x2e: {  	s3 =	simm.s32 @!p0 $0x1082;
	s9 =	sld [smem:$0x3FB5]  }
0x2f: {  	lr =	sadd.s32 s0, s3;
	s0 =	sld [smem:$0x3FAC]  }
0x30: {  	s3 =	sld [smem:$0x3FAF]  }
0x31: {  	[smem:$0x3FB8] =	sst s10  }
0x32: {  	s10 =	sld [smem:$0x3FB6];
	_ =	sdelay $0x3  }
0x33: {  	p0 =	seq.s32 s10, $0x1;
	s10 =	sld [smem:$0x3FB8];
	_ =	sdelay $0x3  }
0x34: {  	[smem:$0x3FB8] =	sst s10  }
0x35: {  	s10 =	sld [smem:$0x3FB7];
	_ =	sdelay $0x3  }
0x36: {  	p1 =	seq.s32 s10, $0x1;
	s10 =	sld [smem:$0x3FB8];
	_ =	sdelay $0x3  }
0x37: {  	[smem:$0x3FB8] =	sst s10  }
0x38: {  	s10 =	sld [smem:$0x3FB9]  }
0x39: {  	_ = 	snop;
	(pc) =	sbr.ind lr, $3  }
0x3a: {  	_ = 	snop  }
0x3b: {  	_ = 	snop  }
0x3c: {  	p2 =	seq.s32 s10, $0x1;
	s10 =	sld [smem:$0x3FB8]  }
0x3d: {  	_ =	shalt  }
0x3e: {  	_ =	shalt  }
0x3f: {  	_ =	shalt  }
0x40: {  	_ =	shalt  }
0x41: {  	_ =	shalt  }
0x42: {  	_ =	shalt  }
0x43: {  	_ =	shalt  }
0x44: {  	_ =	shalt  }
0x45: {  	_ =	shalt  }
0x46: {  	_ =	shalt  }
0x47: {  	_ =	shalt  }
0x48: {  	_ =	shalt  }
0x49: {  	_ =	shalt  }
0x4a: {  	_ =	shalt  }
0x4b: {  	_ =	shalt  }
0x4c: {  	_ =	shalt  }
0x4d: {  	_ =	shalt  }
0x4e: {  	_ =	shalt  }
0x4f: {  	_ =	shalt  }
0x50: {  	_ =	shalt  }
0x51: {  	_ =	shalt  }
0x52: {  	_ =	shalt  }
0x53: {  	_ =	shalt  }
0x54: {  	_ =	shalt  }
0x55: {  	_ =	shalt  }
0x56: {  	_ =	shalt  }
0x57: {  	_ =	shalt  }
0x58: {  	_ =	shalt  }
0x59: {  	_ =	shalt  }
0x5a: {  	_ =	shalt  }
0x5b: {  	_ =	shalt  }
0x5c: {  	_ =	shalt  }
0x5d: {  	_ =	shalt  }
0x5e: {  	_ =	shalt  }
0x5f: {  	_ =	shalt  }
0x60: {  	_ =	shalt  }
0x61: {  	_ =	shalt  }
0x62: {  	_ =	shalt  }
0x63: {  	_ =	shalt  }
0x64: {  	_ =	shalt  }
0x65: {  	_ =	shalt  }
0x66: {  	_ =	shalt  }
0x67: {  	_ =	shalt  }
0x68: {  	_ =	shalt  }
0x69: {  	_ =	shalt  }
0x6a: {  	_ =	shalt  }
0x6b: {  	_ =	shalt  }
0x6c: {  	_ =	shalt  }
0x6d: {  	_ =	shalt  }
0x6e: {  	_ =	shalt  }
0x6f: {  	_ =	shalt  }
0x70: {  	_ =	shalt  }
0x71: {  	_ =	shalt  }
0x72: {  	_ =	shalt  }
0x73: {  	_ =	shalt  }
0x74: {  	_ =	shalt  }
0x75: {  	_ =	shalt  }
0x76: {  	_ =	shalt  }
0x77: {  	_ =	shalt  }
0x78: {  	_ =	shalt  }
0x79: {  	_ =	shalt  }
0x7a: {  	_ =	shalt  }
0x7b: {  	_ =	shalt  }
0x7c: {  	_ =	shalt  }
0x7d: {  	_ =	shalt  }
0x7e: {  	_ =	shalt  }
0x7f: {  	_ =	shalt  }
0x80: {  	_ =	shalt  }
0x81: {  	_ =	shalt  }
0x82: {  	_ =	shalt  }
0x83: {  	_ =	shalt  }
0x84: {  	_ =	shalt  }
0x85: {  	_ =	shalt  }
0x86: {  	_ =	shalt  }
0x87: {  	_ =	shalt  }
.Lfunc_end0:
.L_simem_size_0:
called_computation_lowered:
.L_overlay_start_0:
0x88: {  	s2 =	sld [smem:$0x3FD9]  }
0x89: {  	s3 =	sld [smem:$0x3FFE];
	_ =	sdelay $0x1  }
0x8a: {  	s1 =	srdreg.scid  }
0x8b: {  	s0 =	sand.u32 $0x1, s1  }
0x8c: {  	s17 =	sshll.u32 s0, $0xA;
	s2 =	sadd.s32 s3, s2  }
0x8d: {  	s2 =	sadd.s32 s2, s17  }
0x8e: {  	[smem:$0x3FC4] =	sst s2  }
0x8f: {  	_ = 	snop  }
0x90: {  	s2 =	sld [smem:$0x3FD0];
	(tm) =	ssettm $0x1  }
0x91: {  	s18 =	sld [smem:$0x3FFB];
	_ =	sdelay $0x3  }
0x92: {  	_ =	strace s18  }
0x93: {  	s3 =	sld [smem:$0x3FFC];
	_ =	sdelay $0x3  }
0x94: {  	_ =	strace s3  }
0x95: {  	s3 =	sld [smem:$0x3FFD];
	_ =	sdelay $0x3  }
0x96: {  	_ =	strace s3  }
0x97: {  	_ =	strace $0x8FFFFFFF  }
0x98: {  	s19 =	sld [smem:$0x3FDB];
	_ =	sdelay $0x1  }
0x99: {  	s4 =	simm.s32 $_scs_section_size  }
0x9a: {  	s5 =	simm.s32 $_size__tile_overlayer_lowered;
	s6 =	simm.s32 $_tile_overlayer_lowered  }
0x9b: {  	s22 =	simm.s32 $0x1BFF;
	s21 =	sshll.u32 s6, $0x1;
	s3 =	sadd.s32 s4, s19  }
0x9c: {  	s7 =	simm.s32 $0x0;
	s20 =	sshll.u32 s5, $0x1;
	s5 =	sadd.s32 s21, s3  }
0x9d: {  	[timem:s7], [sflag:s22] =	dma.local [hbm:s5], s20  }
0x9e: {  	_ =	swait.ge [sflag:s22], s20  }
0x9f: {  	s4 =	ssub.s32 $0x0, s20;
	[sflag:s22] =	ssyncset.done $0x0  }
0xa0: {  	[sflag:s22] =	ssyncadd.s32 s4;
	_ =	sdelay $0x1  }
0xa1: {  	s23 =	simm.s32 $0x1B8B  }
0xa2: {  	_ =	swait.ge [sflag:s23], $0x1  }
0xa3: {  	[sflag:s23] =	ssyncset.done $0x0  }
0xa4: {  	s25 =	simm.s32 $0x1B8E;
	s24 =	sld [smem:$0x3FFE];
	[sflag:s23] =	ssyncadd.s32 $0xFFFFFFFF  }
0xa5: {  	s26 =	simm.s32 $execute0_lowered;
	[smem:$0x3FD2] =	sst s25  }
0xa6: {  	s5 =	sshll.u32 s26, $0x1;
	_ =	strace $0x80000046;
	[dreg:$0x1] =	wrdreg $0xFFFFFFFF  }
0xa7: {  	s28 =	simm.s32 $_size_execute0_lowered;
	s3 =	sadd.s32 s3, s5;
	[dreg:$0x0] =	wrdreg $0x0  }
0xa8: {  	s5 =	sshll.u32 s28, $0x1;
	[dreg:$0x2] =	wrdreg s3  }
0xa9: {  	[dreg:$0x3] =	wrdreg s5  }
0xaa: {  	[dreg:$0x4] =	wrdreg $0xC0  }
0xab: {  	_ =	task [dreg:s7], $0x5FFFF  }
0xac: {  	[dreg:$0x1] =	wrdreg $0xFFFFFFFF  }
0xad: {  	[dreg:$0x0] =	wrdreg $0x60  }
0xae: {  	[dreg:$0x2] =	wrdreg s2  }
0xaf: {  	[dreg:$0x3] =	wrdreg s24  }
0xb0: {  	[dreg:$0x4] =	wrdreg $0x28800  }
0xb1: {  	[dreg:$0x5] =	wrdreg $0x9  }
0xb2: {  	_ =	task.clear_ibuf [dreg:s7], $0x6FFFF;
	_ =	strace $0x90000046  }
0xb3: {  	s29 =	simm.s32 $0x9;
	_ =	strace $0x80000048  }
0xb4: {  	_ =	swait.ge [sflag:s29], $0x1  }
0xb5: {  	[sflag:s29] =	ssyncadd.s32 $0xFFFFFFFF  }
0xb6: {  	_ =	strace $0x90000048  }
0xb7: {  	_ =	sfence  }
0xb8: {  	s30 =	sld [smem:$0x0];
	_ =	sdelay $0x2  }
0xb9: {  	s31 =	sshll.u32 s1, $0xD;
	s1 =	sshrl.u32 s1, $0x2  }
0xba: {  	s3 =	sand.u32 $0x4000, s31;
	s1 =	sadd.s32 s1, s30  }
0xbb: {  	s0 =	sor.u32 s3, s0;
	s1 =	sshll.u32 s1, $0x11  }
0xbc: {  	s0 =	sor.u32 s1, s0  }
0xbd: {  	s0 =	sadd.s32 $0x8F2B, s0  }
0xbe: {  	[sflag:s0] =	ssyncadd.remote.s32 $0x1  }
0xbf: {  	_ =	sfence.sel $0xFFFF  }
0xc0: {  	[dreg:$0x0] =	wrdreg $0xFFFFFFFF;
	(pc) =	sbr.abs _section_cstart, $3  }
0xc1: {  	[dreg:$0x1] =	wrdreg $0xFFFFFFFF  }
0xc2: {  	_ =	task.clear_ibuf [dreg:s7], $0x2FFFF;
	_ =	strace $0x9FFFFFFF  }
0xc3: {  	(tm) =	ssettm $0x7FFFFFFF  }
tec
execute0_lowered:
.L_overlay_start_1:
0x0: {  	(tag) =	ssettag $0x1  }
0x1: {  	s10 =	rddreg [dreg:$0x0]  }
0x2: {  	s4 =	rddreg [dreg:$0x1]  }
0x3: {  	s2 =	rddreg [dreg:$0x2]  }
0x4: {  	s0 =	rddreg [dreg:$0x3]  }
0x5: {  	s5 =	srdreg.scid;
	s1 =	stileid.u32  }
0x6: {  	s3 =	simm.s32 $0x0;
	s15 =	simm.s32 $0x80;
	s16 =	simm.s32 $0x2780  }
0x7: {  	s19 =	simm.s32 $0x0;
	s5 =	sand.u32 $0x1, s5;
	s6 =	smul.u32 $0x280, s1  }
0x8: {  	[smem:$0x7FF] =	sst s3;
	s17 =	sshll.u32 s1, $0x6;
	s7 =	smul.u32 $0x2800, s5  }
0x9: {  	_ =	strace $0x80000047;
	s8 =	ssub.s32 $0x2, s5;
	s5 =	sshll.u32 s5, $0x4  }
0xa: {  	s17 =	sor.u32 $0x1C01, s17;
	s9 =	sshrl.u32 s8, $0x1;
	s13 =	sor.u32 s1, s5  }
0xb: {  	s7 =	sadd.s32 s6, s7;
	s12 =	ssub.s32 s8, s9;
	s5 =	smul.u32 $0x4E, s13  }
0xc: {  	p0 =	slt.u32 s13, $0x4;
	s30 =	smin.u32 s13, $0x4;
	s7 =	sshrl.u32 s7, $0x3  }
0xd: {  	s12 =	smax.u32 s12, $0x1;
	s11 =	sadd.s32 s7, s4;
	s4 =	simm.s32 $0x4F  }
0xe: {  	s31 =	sadd.s32 s30, s5;
	s5 =	sadd.s32 s6, s2;
	s4 =	simm.s32 @!p0 $0x4E  }
0xf: {  	s6 =	sadd.s32 $0x80, s5;
	s7 =	sadd.s32 $0x100, s5;
	s14 =	sshll.u32 s31, $0x4  }
0x10: {  	s8 =	sadd.s32 $0x180, s5;
	s9 =	sadd.s32 $0x200, s5;
	s11 =	sadd.s32 $0x1A00, s11  }
0x11: {  	p0 =	sgt.u32 s13, $0x3;
	s13 =	simm.s32 $0x2800;
	s10 =	sadd.s32 s10, s14  }
0x12: {  	v0 =	vimm.f32 $1.000000000e+00;
	v1 =	vimm.f32 $0.0e+00;
	s18 =	sshrl.u32 s5, $0x3;
	s14 =	simm.s32 $0x1;
	s10 =	sadd.s32 $0x9C40, s10  }
.LBB2_1:
0x13: {  	[tilespmem:$0x2780] =	vst v0  }
0x14: {  	[tilespmem:$0x2800] =	vst v1  }
0x15: {  	[tilespmem:$0x2790] =	vst v0  }
0x16: {  	[tilespmem:$0x2810] =	vst v1  }
0x17: {  	[tilespmem:$0x27A0] =	vst v0  }
0x18: {  	[tilespmem:$0x2820] =	vst v1  }
0x19: {  	[tilespmem:$0x27B0] =	vst v0  }
0x1a: {  	[tilespmem:$0x2830] =	vst v1  }
0x1b: {  	[tilespmem:$0x27C0] =	vst v0  }
0x1c: {  	[tilespmem:$0x2840] =	vst v1  }
0x1d: {  	[tilespmem:$0x27D0] =	vst v0  }
0x1e: {  	[tilespmem:$0x2850] =	vst v1  }
0x1f: {  	[tilespmem:$0x27E0] =	vst v0  }
0x20: {  	[tilespmem:$0x2860] =	vst v1  }
0x21: {  	[tilespmem:$0x27F0] =	vst v0  }
0x22: {  	[tilespmem:$0x2870] =	vst v1  }
0x23: {  	[spmem:s5] =	stream.linear.scatter [tilespmem:s13], [sflag:$0x1], $0x80, $0x38;
	[tilespmem:$0x2B00] =	vst v63  }
0x24: {  	_ =	swait.ge [sflag:s14], $0x80  }
0x25: {  	[sflag:s14] =	ssyncset.done $0x0  }
0x26: {  	[sflag:s14] =	ssyncadd.s32 $0xFFFFFF80  }
0x27: {  	[spmem:s6] =	stream.linear.scatter [tilespmem:s13], [sflag:$0x1], $0x80, $0x38;
	[tilespmem:$0x2B00] =	vst v63  }
0x28: {  	_ =	swait.ge [sflag:s14], $0x80  }
0x29: {  	[sflag:s14] =	ssyncset.done $0x0  }
0x2a: {  	[sflag:s14] =	ssyncadd.s32 $0xFFFFFF80  }
0x2b: {  	[spmem:s7] =	stream.linear.scatter [tilespmem:s13], [sflag:$0x1], $0x80, $0x38;
	[tilespmem:$0x2B00] =	vst v63  }
0x2c: {  	_ =	swait.ge [sflag:s14], $0x80  }
0x2d: {  	[sflag:s14] =	ssyncset.done $0x0  }
0x2e: {  	[sflag:s14] =	ssyncadd.s32 $0xFFFFFF80  }
0x2f: {  	[spmem:s8] =	stream.linear.scatter [tilespmem:s13], [sflag:$0x1], $0x80, $0x38;
	[tilespmem:$0x2B00] =	vst v63  }
0x30: {  	_ =	swait.ge [sflag:s14], $0x80  }
0x31: {  	[sflag:s14] =	ssyncset.done $0x0  }
0x32: {  	[sflag:s14] =	ssyncadd.s32 $0xFFFFFF80  }
0x33: {  	[spmem:s9] =	stream.linear.scatter [tilespmem:s13], [sflag:$0x1], $0x80, $0x38;
	[tilespmem:$0x2B00] =	vst v63  }
0x34: {  	_ =	swait.ge [sflag:s14], $0x80  }
0x35: {  	[sflag:s14] =	ssyncset.done $0x0  }
0x36: {  	s20 =	simm.s32 @p0 $0x0;
	[sflag:s14] =	ssyncadd.s32 $0xFFFFFF80  }
0x37: {  	[tilespmem:s20], [sflag:$0x1] =	stream.linear.gather @p0 [hbm4b:s10+s20], $0x2700, $0x38;
	[tilespmem:$0x2B00] =	vst v63  }
0x38: {  	s20 =	simm.s32 @p0 $0x1  }
0x39: {  	_ =	swait.ge @p0 [sflag:s20], $0x2700  }
0x3a: {  	[sflag:s20] =	ssyncset.done @p0 $0x0  }
0x3b: {  	[sflag:s20] =	ssyncadd.s32 @p0 $0xFFFFD900;
	s20 =	simm.s32 @!p0 $0x0  }
0x3c: {  	[tilespmem:s20], [sflag:$0x1] =	stream.linear.gather @!p0 [hbm4b:s10+s20], $0x2780, $0x38;
	[tilespmem:$0x2B00] =	vst v63  }
0x3d: {  	s20 =	simm.s32 @!p0 $0x1  }
0x3e: {  	_ =	swait.ge @!p0 [sflag:s20], $0x2780  }
0x3f: {  	p1 =	sne.s32 s4, $0x1;
	[sflag:s20] =	ssyncset.done @!p0 $0x0  }
.Ltmp0:
0x40: {  	[sflag:s20] =	ssyncadd.s32 @!p0 $0xFFFFD880;
	(pc) =	sbr.rel @!p1 .LBB2_3-.Ltmp0, $4  }
0x41: {  	[bflag:$0x0] =	sbarrier.arrive $0xFFFF  }
0x42: {  	[spmem:s2] =	stream.indirect.scatter.add.f32 [tilespmem:s16], [sflag:$0x1], $0x1, s3, s15, $0xb8;
	[tilespmem:$0x2B00] =	vst v63  }
0x43: {  	_ =	swait.ge [sflag:s14], $0x80  }
0x44: {  	s21 =	simm.s32 $0x0;
	s20 =	sadd.s32 $0xFFFFFFFF, s4;
	[sflag:s14] =	ssyncset.done $0x0  }
.LBB2_2:
0x45: {  	p1 =	sne.s32 s20, $0x1;
	[sflag:s14] =	ssyncadd.s32 $0xFFFFFF80;
	s21 =	sadd.s32 $0x80, s21  }
.Ltmp1:
0x46: {  	s20 =	sadd.s32 $0xFFFFFFFF, s20;
	(pc) =	sbr.rel @p1 .LBB2_2-.Ltmp1, $4  }
0x47: {  	_ = 	snop  }
0x48: {  	[spmem:s2] =	stream.indirect.scatter.add.f32 [tilespmem:s16], [sflag:$0x1], $0x1, s21, s15, $0xb8;
	[tilespmem:$0x2B00] =	vst v63  }
0x49: {  	_ =	swait.ge [sflag:s14], $0x80  }
0x4a: {  	[sflag:s14] =	ssyncset.done $0x0  }
.LBB2_3:
0x4b: {  	s19 =	sadd.s32 $0x1, s19  }
0x4c: {  	[sflag:s14] =	ssyncadd.s32 $0xFFFFFF80;
	p1 =	sne.s32 s19, s12  }
.Ltmp2:
0x4d: {  	[bflag:$0x0] =	sbarrier.arrive $0xFFFF;
	(pc) =	sbr.rel @p1 .LBB2_1-.Ltmp2, $4  }
0x4e: {  	[hbm:s11], [sflag:s17] =	dma.local [spmem:s18], $0x50  }
0x4f: {  	_ =	swait.ge [sflag:s14], $0x50  }
0x50: {  	[sflag:s14] =	ssyncset.done $0x0  }
0x51: {  	[sflag:s14] =	ssyncadd.s32 $0xFFFFFFB0  }
0x52: {  	_ =	sfence.sel $0x180000  }
0x53: {  	[bflag:$0x0] =	sbarrier.arrive $0xFFFF  }
0x54: {  	p0 =	sne.s32 s1, $0x0;
	_ =	strace $0x90000047  }
0x55: {  	s0 =	sadd.s32 @!p0 $0x100000, s0;
	[bflag:$0x2] =	sbarrier.arrive $0xFFFF  }
0x56: {  	[sflag:s0] =	ssyncadd.tile.s32 @!p0 $0x1;
	_ =	shalt  }
.Lfunc_end2:
_tile_overlayer_lowered:
.L_overlay_start_2:
0x57: {  	(tag) =	ssettag $0x2  }
0x58: {  	s0 =	rddreg [dreg:$0x0];
	s2 =	stileid.u32  }
0x59: {  	s1 =	rddreg [dreg:$0x1];
	p0 =	sne.s32 s2, $0x0  }
0x5a: {  	s3 =	rddreg [dreg:$0x2];
	[bflag:$0x3] =	sbarrier.arrive $0xFFFF;
	s2 =	simm.s32 @!p0 $0x1C01  }
0x5b: {  	[timem:s3], [sflag:s2] =	dma.local @!p0 [hbm:s0], s1  }
0x5c: {  	s0 =	simm.s32 @!p0 $0x1  }
0x5d: {  	_ =	swait.ge @!p0 [sflag:s0], s1  }
0x5e: {  	s1 =	ssub.s32 @!p0 $0x0, s1;
	[sflag:s0] =	ssyncset.done @!p0 $0x0  }
0x5f: {  	[sflag:s0] =	ssyncadd.s32 @!p0 s1  }
0x60: {  	[bflag:$0x3] =	sbarrier.arrive $0xFFFF  }
0x61: {  	_ =	shalt  }

</sc_bundles>
